<compile_context>
chip_gen: v7x
topology: tpu7x:2x2x1
jax: 0.10.2.dev20260603
libtpu: 0.0.44.dev20260713+nightly
codegen_flags: <defaults>
</compile_context>

<pallas_src>
import functools

import jax
import jax.numpy as jnp
import numpy as np
from jax import lax
from jax.experimental import pallas as pl
from jax.experimental.pallas import tpu as pltpu
from jax.experimental.pallas import tpu_sc as plsc

N_LINES = 208
BATCH_SIZE = 128

_THRESHOLDS = np.array([
    0.4386325, 0.5337529, 0.44591832, 0.43839633, 0.8973628, 0.558946, 0.9838855,
    0.84199095, 0.38577962, 0.6399573, 0.23949516, 0.40301323, 0.8120787, 0.7841011,
    0.81297886, 0.70860887, 0.83292997, 0.036153078, 0.8052306, 0.05287373, 0.47609973,
    0.06610119, 0.1584791, 0.7400713, 0.045363903, 0.6977229, 0.7848017, 0.1330074,
    0.34231722, 0.12801087, 0.86731577, 0.3698523, 0.69349194, 0.97837555, 0.50665164,
    0.9837682, 0.99545264, 0.100491285, 0.82410944, 0.83790076, 0.8688601, 0.53486156,
    0.941082, 0.5920453, 0.79030395, 0.6920668, 0.7650684, 0.80544233, 0.8961737,
    0.79785836, 0.14100564, 0.35522497, 0.30713892, 0.18031168, 0.43362856, 0.016871095,
    0.56193995, 0.16531467, 0.22368371, 0.07928014, 0.003014803, 0.62796366, 0.76754165,
    0.41713, 0.37669563, 0.9529315, 0.34004676, 0.6092963, 0.3046757, 0.39615,
    0.24214983, 0.1650958, 0.061029434, 0.073996186, 0.057451606, 0.9826788, 0.987764,
    0.7065077, 0.9449332, 0.0418967, 0.10487056, 0.26843, 0.034175277, 0.81717086,
    0.1990552, 0.57412755, 0.05184543, 0.7586813, 0.7620821, 0.47232378, 0.78270936,
    0.45437014, 0.8479538, 0.09786272, 0.16876411, 0.46419013, 0.4561093, 0.48527944,
    0.6852114, 0.6509049, 0.072396874, 0.7788888, 0.19394803, 0.8333278, 0.5905111,
    0.8777, 0.14625561, 0.23645341, 0.23070085, 0.051487327, 0.05455792, 0.8493929,
    0.117322326, 0.8930719, 0.7717757, 0.22304487, 0.8634026, 0.52528596, 0.6994902,
    0.5021601, 0.3581773, 0.23868799, 0.4292748, 0.35127354, 0.36433637, 0.52105606,
    0.54196596, 0.6920922, 0.6005902, 0.3225528, 0.46457756, 0.9408618, 0.98212457,
    0.3598963, 0.9877881, 0.8807694, 0.99792075, 0.39707792, 0.9988047, 0.8472737,
    0.5996567, 0.7396703, 0.3473184, 0.3739065, 0.5479305, 0.27445686, 0.013775945,
    0.5311582, 0.6960057, 0.68597007, 0.45499122, 0.9454211, 0.36100876, 0.6663765,
    0.51741254, 0.93037975, 0.99563, 0.4777242, 0.7859727, 0.66935754, 0.6924659,
    0.15933561, 0.8039973, 0.120592594, 0.9558419, 0.59797347, 0.98089385, 0.2544949,
    0.54138243, 0.9694904, 0.9107065, 0.88294303, 0.08383775, 0.25321734, 0.9328828,
    0.71008575, 0.48014355, 0.8240315, 0.63994515, 0.24035895, 0.29259944, 0.19952428,
    0.10301936, 0.6840236, 0.2197541, 0.77775776, 0.7955445, 0.93995714, 0.7468102,
    0.22736764, 0.34684026, 0.32507694, 0.12116349, 0.9949782, 0.79268885, 0.7657956,
    0.6935377, 0.7885792, 0.18864012, 0.3491683, 0.39273798, 0.28253508, 0.60611117,
    0.4046234, 0.65809596, 0.38392782, 0.6724322, 0.77302146,
], dtype=np.float32)


_L = 16
_NCHUNK = N_LINES // _L


def _make_sc_kernel(num_cores):
    info = plsc.get_sparse_core_info()
    nc, ns = num_cores, info.num_subcores
    nw = nc * ns
    rows_per_w = BATCH_SIZE // nw
    mesh = plsc.VectorSubcoreMesh(
        core_axis_name="c", subcore_axis_name="s", num_cores=nc)

    @functools.partial(
        pl.kernel,
        mesh=mesh,
        out_type=jax.ShapeDtypeStruct((BATCH_SIZE, N_LINES), jnp.float32),
        scratch_types=[
            pltpu.VMEM((N_LINES,), jnp.float32),
            pltpu.VMEM((N_LINES,), jnp.float32),
            pltpu.VMEM((rows_per_w, N_LINES), jnp.float32),
            pltpu.SemaphoreType.DMA,
            pltpu.SemaphoreType.DMA,
        ],
    )
    def k(logits_hbm, thr_hbm, out_hbm, x_v, t_v, rows_v, xsem, tsem):
        wid = lax.axis_index("s") * nc + lax.axis_index("c")
        xcp = pltpu.async_copy(logits_hbm, x_v, xsem)
        tcp = pltpu.async_copy(thr_hbm, t_v, tsem)
        xcp.wait()
        acc = jnp.zeros((_L,), jnp.float32)
        for i in range(_NCHUNK):
            x = x_v[pl.ds(i * _L, _L)]
            p = 1.0 / (1.0 + jnp.exp(-5.0 * x))
            x_v[pl.ds(i * _L, _L)] = p
            acc = acc + p
        lane = lax.iota(jnp.int32, _L)
        dnums = lax.GatherDimensionNumbers(
            offset_dims=(), collapsed_slice_dims=(0,), start_index_map=(0,))
        for sh in (8, 4, 2, 1):
            perm = lax.gather(acc, (lane ^ sh)[:, None], dnums, slice_sizes=(1,),
                              mode=lax.GatherScatterMode.PROMISE_IN_BOUNDS)
            acc = acc + perm
        xbar = acc * (1.0 / N_LINES)
        cond = xbar > 0.125
        r = 0.125 / xbar
        beta = 0.875 / (1.0 - xbar)
        a = jnp.where(cond, r, beta)
        b = jnp.where(cond, 0.0, 1.0 - beta)
        tcp.wait()
        for i in range(_NCHUNK):
            p = x_v[pl.ds(i * _L, _L)]
            t = t_v[pl.ds(i * _L, _L)]
            sm = 1.0 / (1.0 + jnp.exp(-12.0 * (a * p + b - t)))
            for j in range(rows_per_w):
                rows_v[j, pl.ds(i * _L, _L)] = sm
        pltpu.sync_copy(rows_v, out_hbm.at[pl.ds(wid * rows_per_w, rows_per_w)])

    return k


_sc_kernel = _make_sc_kernel(num_cores=1)


def kernel(logits):
    thr = jnp.asarray(_THRESHOLDS)
    return _sc_kernel(logits, thr)

# --- scband reference (transcript-rebuilt; emitter-appended) ---
"""Pipeline reference for scband-loupe-4887672783560 (READ-ONLY COPY).

The authoritative reference and input builder live on the scoring server;
editing this copy changes nothing except your own understanding.
"""

import jax, jax.numpy as jnp
import numpy as np

BATCH_SIZE = 128
N_LINES = 208


def setup_inputs(seed: int = 0) -> dict:
    key = jax.random.key(seed)
    logits = jax.random.normal(key, (N_LINES,), dtype=jnp.float32)
    return {"logits": logits}


def reference(logits):
    # prob_mask = sigmoid(5 * logits)
    prob_mask = jax.nn.sigmoid(5.0 * logits)
    xbar = jnp.mean(prob_mask)
    r = 0.125 / xbar
    beta = 0.875 / (1.0 - xbar)
    # data-dependent scalar branch -> jnp.where (both branches computed, faithful math)
    scaled_mask = jnp.where(xbar > 0.125, prob_mask * r, 1.0 - (1.0 - prob_mask) * beta)
    # torch.rand(208) -> deterministic uniform thresholds with a fixed key
    thresholds = jax.random.uniform(jax.random.key(1), (N_LINES,), dtype=jnp.float32)
    # soft (hard=False) path: sigmoid(12 * (scaled_mask - thresholds))
    sample_mask = jax.nn.sigmoid(12.0 * (scaled_mask - thresholds))
    # unsqueeze(0).repeat(batch_size, 1)
    return jnp.tile(sample_mask[None, :], (BATCH_SIZE, 1))

if __name__ == "__main__":
    import jax
    _d = setup_inputs()
    print(jax.jit(kernel)(*tuple(_d.values())))

</pallas_src>

<mosaic_0001>
#map = affine_map<(d0, d1) -> (0)>
#map1 = affine_map<(d0, d1) -> (0, 0)>
module attributes {stable_mosaic.version = 14 : i64} {
  func.func @k(%arg0: i32, %arg1: i32, %arg2: memref<208xf32, #tpu.memory_space<hbm>>, %arg3: memref<208xf32, #tpu.memory_space<hbm>>, %arg4: memref<128x208xf32, #tpu.memory_space<hbm>>, %arg5: memref<208xf32, #tpu.memory_space<vmem>>, %arg6: memref<208xf32, #tpu.memory_space<vmem>>, %arg7: memref<8x208xf32, #tpu.memory_space<vmem>>, %arg8: memref<!tpu.dma_semaphore, #tpu.memory_space<semaphore_mem>>, %arg9: memref<!tpu.dma_semaphore, #tpu.memory_space<semaphore_mem>>) attributes {dimension_semantics = [#tpu.dimension_semantics<core_parallel>, #tpu.dimension_semantics<subcore_parallel>], iteration_bounds = array<i64: 1, 16>, scalar_prefetch = 0 : i64, scratch_operands = 5 : i64, tpu.core_type = #tpu.core_type<sc_vector_subcore>, window_params = [{transform_indices = #map}, {transform_indices = #map}, {transform_indices = #map1}]} {
    %mul3A = arith.constant 1 : i32
    %mul3A_0 = arith.muli %arg1, %mul3A : i32
    %add3A = arith.addi %mul3A_0, %arg0 : i32
    tpu.enqueue_dma source(%arg2 : memref<208xf32, #tpu.memory_space<hbm>>) target(%arg5 : memref<208xf32, #tpu.memory_space<vmem>>) target_semaphore(%arg8 : memref<!tpu.dma_semaphore, #tpu.memory_space<semaphore_mem>>)
    tpu.enqueue_dma source(%arg3 : memref<208xf32, #tpu.memory_space<hbm>>) target(%arg6 : memref<208xf32, #tpu.memory_space<vmem>>) target_semaphore(%arg9 : memref<!tpu.dma_semaphore, #tpu.memory_space<semaphore_mem>>)
    tpu.wait_dma2 semaphore(%arg8 : memref<!tpu.dma_semaphore, #tpu.memory_space<semaphore_mem>>) src(%arg2 : memref<208xf32, #tpu.memory_space<hbm>>) dst(%arg5 : memref<208xf32, #tpu.memory_space<vmem>>)
    %broadcast_in_dim3A = arith.constant 0.000000e+00 : f32
    %broadcast_in_dim3A_1 = vector.broadcast %broadcast_in_dim3A : f32 to vector<16xf32>
    %get3A = arith.constant 0 : index
    %get3A_2 = tpu.vector_load %arg5[%get3A] {strides = array<i32>} : memref<208xf32, #tpu.memory_space<vmem>>, vector<16xf32>,
    %get3A_3 = vector.shape_cast %get3A_2 : vector<16xf32> to vector<16xf32>
    %mul3A_4 = arith.constant -5.000000e+00 : f32
    %mul3A_5 = vector.broadcast %mul3A_4 : f32 to vector<16xf32>
    %mul3A_6 = arith.mulf %mul3A_5, %get3A_3 : vector<16xf32>
    %exp3A = math.exp %mul3A_6 : vector<16xf32>
    %add3A_7 = arith.constant 1.000000e+00 : f32
    %add3A_8 = vector.broadcast %add3A_7 : f32 to vector<16xf32>
    %add3A_9 = arith.addf %add3A_8, %exp3A : vector<16xf32>
    %div3A = arith.constant 1.000000e+00 : f32
    %div3A_10 = vector.broadcast %div3A : f32 to vector<16xf32>
    %div3A_11 = arith.divf %div3A_10, %add3A_9 : vector<16xf32>
    %swap3A = arith.constant 0 : index
    %swap3A_12 = tpu.vector_load %arg5[%swap3A] {strides = array<i32>} : memref<208xf32, #tpu.memory_space<vmem>>, vector<16xf32>,
    %swap3A_13 = vector.shape_cast %swap3A_12 : vector<16xf32> to vector<16xf32>
    %swap3A_14 = vector.shape_cast %div3A_11 : vector<16xf32> to vector<16xf32>
    tpu.vector_store %arg5[%swap3A], %swap3A_14 {strides = array<i32>} : memref<208xf32, #tpu.memory_space<vmem>>, vector<16xf32>,
    %add3A_15 = arith.addf %broadcast_in_dim3A_1, %div3A_11 : vector<16xf32>
    %get3A_16 = arith.constant 16 : index
    %get3A_17 = tpu.vector_load %arg5[%get3A_16] {strides = array<i32>} : memref<208xf32, #tpu.memory_space<vmem>>, vector<16xf32>,
    %get3A_18 = vector.shape_cast %get3A_17 : vector<16xf32> to vector<16xf32>
    %mul3A_19 = arith.constant -5.000000e+00 : f32
    %mul3A_20 = vector.broadcast %mul3A_19 : f32 to vector<16xf32>
    %mul3A_21 = arith.mulf %mul3A_20, %get3A_18 : vector<16xf32>
    %exp3A_22 = math.exp %mul3A_21 : vector<16xf32>
    %add3A_23 = arith.constant 1.000000e+00 : f32
    %add3A_24 = vector.broadcast %add3A_23 : f32 to vector<16xf32>
    %add3A_25 = arith.addf %add3A_24, %exp3A_22 : vector<16xf32>
    %div3A_26 = arith.constant 1.000000e+00 : f32
    %div3A_27 = vector.broadcast %div3A_26 : f32 to vector<16xf32>
    %div3A_28 = arith.divf %div3A_27, %add3A_25 : vector<16xf32>
    %swap3A_29 = arith.constant 16 : index
    %swap3A_30 = tpu.vector_load %arg5[%swap3A_29] {strides = array<i32>} : memref<208xf32, #tpu.memory_space<vmem>>, vector<16xf32>,
    %swap3A_31 = vector.shape_cast %swap3A_30 : vector<16xf32> to vector<16xf32>
    %swap3A_32 = vector.shape_cast %div3A_28 : vector<16xf32> to vector<16xf32>
    tpu.vector_store %arg5[%swap3A_29], %swap3A_32 {strides = array<i32>} : memref<208xf32, #tpu.memory_space<vmem>>, vector<16xf32>,
    %add3A_33 = arith.addf %add3A_15, %div3A_28 : vector<16xf32>
    %get3A_34 = arith.constant 32 : index
    %get3A_35 = tpu.vector_load %arg5[%get3A_34] {strides = array<i32>} : memref<208xf32, #tpu.memory_space<vmem>>, vector<16xf32>,
    %get3A_36 = vector.shape_cast %get3A_35 : vector<16xf32> to vector<16xf32>
    %mul3A_37 = arith.constant -5.000000e+00 : f32
    %mul3A_38 = vector.broadcast %mul3A_37 : f32 to vector<16xf32>
    %mul3A_39 = arith.mulf %mul3A_38, %get3A_36 : vector<16xf32>
    %exp3A_40 = math.exp %mul3A_39 : vector<16xf32>
    %add3A_41 = arith.constant 1.000000e+00 : f32
    %add3A_42 = vector.broadcast %add3A_41 : f32 to vector<16xf32>
    %add3A_43 = arith.addf %add3A_42, %exp3A_40 : vector<16xf32>
    %div3A_44 = arith.constant 1.000000e+00 : f32
    %div3A_45 = vector.broadcast %div3A_44 : f32 to vector<16xf32>
    %div3A_46 = arith.divf %div3A_45, %add3A_43 : vector<16xf32>
    %swap3A_47 = arith.constant 32 : index
    %swap3A_48 = tpu.vector_load %arg5[%swap3A_47] {strides = array<i32>} : memref<208xf32, #tpu.memory_space<vmem>>, vector<16xf32>,
    %swap3A_49 = vector.shape_cast %swap3A_48 : vector<16xf32> to vector<16xf32>
    %swap3A_50 = vector.shape_cast %div3A_46 : vector<16xf32> to vector<16xf32>
    tpu.vector_store %arg5[%swap3A_47], %swap3A_50 {strides = array<i32>} : memref<208xf32, #tpu.memory_space<vmem>>, vector<16xf32>,
    %add3A_51 = arith.addf %add3A_33, %div3A_46 : vector<16xf32>
    %get3A_52 = arith.constant 48 : index
    %get3A_53 = tpu.vector_load %arg5[%get3A_52] {strides = array<i32>} : memref<208xf32, #tpu.memory_space<vmem>>, vector<16xf32>,
    %get3A_54 = vector.shape_cast %get3A_53 : vector<16xf32> to vector<16xf32>
    %mul3A_55 = arith.constant -5.000000e+00 : f32
    %mul3A_56 = vector.broadcast %mul3A_55 : f32 to vector<16xf32>
    %mul3A_57 = arith.mulf %mul3A_56, %get3A_54 : vector<16xf32>
    %exp3A_58 = math.exp %mul3A_57 : vector<16xf32>
    %add3A_59 = arith.constant 1.000000e+00 : f32
    %add3A_60 = vector.broadcast %add3A_59 : f32 to vector<16xf32>
    %add3A_61 = arith.addf %add3A_60, %exp3A_58 : vector<16xf32>
    %div3A_62 = arith.constant 1.000000e+00 : f32
    %div3A_63 = vector.broadcast %div3A_62 : f32 to vector<16xf32>
    %div3A_64 = arith.divf %div3A_63, %add3A_61 : vector<16xf32>
    %swap3A_65 = arith.constant 48 : index
    %swap3A_66 = tpu.vector_load %arg5[%swap3A_65] {strides = array<i32>} : memref<208xf32, #tpu.memory_space<vmem>>, vector<16xf32>,
    %swap3A_67 = vector.shape_cast %swap3A_66 : vector<16xf32> to vector<16xf32>
    %swap3A_68 = vector.shape_cast %div3A_64 : vector<16xf32> to vector<16xf32>
    tpu.vector_store %arg5[%swap3A_65], %swap3A_68 {strides = array<i32>} : memref<208xf32, #tpu.memory_space<vmem>>, vector<16xf32>,
    %add3A_69 = arith.addf %add3A_51, %div3A_64 : vector<16xf32>
    %get3A_70 = arith.constant 64 : index
    %get3A_71 = tpu.vector_load %arg5[%get3A_70] {strides = array<i32>} : memref<208xf32, #tpu.memory_space<vmem>>, vector<16xf32>,
    %get3A_72 = vector.shape_cast %get3A_71 : vector<16xf32> to vector<16xf32>
    %mul3A_73 = arith.constant -5.000000e+00 : f32
    %mul3A_74 = vector.broadcast %mul3A_73 : f32 to vector<16xf32>
    %mul3A_75 = arith.mulf %mul3A_74, %get3A_72 : vector<16xf32>
    %exp3A_76 = math.exp %mul3A_75 : vector<16xf32>
    %add3A_77 = arith.constant 1.000000e+00 : f32
    %add3A_78 = vector.broadcast %add3A_77 : f32 to vector<16xf32>
    %add3A_79 = arith.addf %add3A_78, %exp3A_76 : vector<16xf32>
    %div3A_80 = arith.constant 1.000000e+00 : f32
    %div3A_81 = vector.broadcast %div3A_80 : f32 to vector<16xf32>
    %div3A_82 = arith.divf %div3A_81, %add3A_79 : vector<16xf32>
    %swap3A_83 = arith.constant 64 : index
    %swap3A_84 = tpu.vector_load %arg5[%swap3A_83] {strides = array<i32>} : memref<208xf32, #tpu.memory_space<vmem>>, vector<16xf32>,
    %swap3A_85 = vector.shape_cast %swap3A_84 : vector<16xf32> to vector<16xf32>
    %swap3A_86 = vector.shape_cast %div3A_82 : vector<16xf32> to vector<16xf32>
    tpu.vector_store %arg5[%swap3A_83], %swap3A_86 {strides = array<i32>} : memref<208xf32, #tpu.memory_space<vmem>>, vector<16xf32>,
    %add3A_87 = arith.addf %add3A_69, %div3A_82 : vector<16xf32>
    %get3A_88 = arith.constant 80 : index
    %get3A_89 = tpu.vector_load %arg5[%get3A_88] {strides = array<i32>} : memref<208xf32, #tpu.memory_space<vmem>>, vector<16xf32>,
    %get3A_90 = vector.shape_cast %get3A_89 : vector<16xf32> to vector<16xf32>
    %mul3A_91 = arith.constant -5.000000e+00 : f32
    %mul3A_92 = vector.broadcast %mul3A_91 : f32 to vector<16xf32>
    %mul3A_93 = arith.mulf %mul3A_92, %get3A_90 : vector<16xf32>
    %exp3A_94 = math.exp %mul3A_93 : vector<16xf32>
    %add3A_95 = arith.constant 1.000000e+00 : f32
    %add3A_96 = vector.broadcast %add3A_95 : f32 to vector<16xf32>
    %add3A_97 = arith.addf %add3A_96, %exp3A_94 : vector<16xf32>
    %div3A_98 = arith.constant 1.000000e+00 : f32
    %div3A_99 = vector.broadcast %div3A_98 : f32 to vector<16xf32>
    %div3A_100 = arith.divf %div3A_99, %add3A_97 : vector<16xf32>
    %swap3A_101 = arith.constant 80 : index
    %swap3A_102 = tpu.vector_load %arg5[%swap3A_101] {strides = array<i32>} : memref<208xf32, #tpu.memory_space<vmem>>, vector<16xf32>,
    %swap3A_103 = vector.shape_cast %swap3A_102 : vector<16xf32> to vector<16xf32>
    %swap3A_104 = vector.shape_cast %div3A_100 : vector<16xf32> to vector<16xf32>
    tpu.vector_store %arg5[%swap3A_101], %swap3A_104 {strides = array<i32>} : memref<208xf32, #tpu.memory_space<vmem>>, vector<16xf32>,
    %add3A_105 = arith.addf %add3A_87, %div3A_100 : vector<16xf32>
    %get3A_106 = arith.constant 96 : index
    %get3A_107 = tpu.vector_load %arg5[%get3A_106] {strides = array<i32>} : memref<208xf32, #tpu.memory_space<vmem>>, vector<16xf32>,
    %get3A_108 = vector.shape_cast %get3A_107 : vector<16xf32> to vector<16xf32>
    %mul3A_109 = arith.constant -5.000000e+00 : f32
    %mul3A_110 = vector.broadcast %mul3A_109 : f32 to vector<16xf32>
    %mul3A_111 = arith.mulf %mul3A_110, %get3A_108 : vector<16xf32>
    %exp3A_112 = math.exp %mul3A_111 : vector<16xf32>
    %add3A_113 = arith.constant 1.000000e+00 : f32
    %add3A_114 = vector.broadcast %add3A_113 : f32 to vector<16xf32>
    %add3A_115 = arith.addf %add3A_114, %exp3A_112 : vector<16xf32>
    %div3A_116 = arith.constant 1.000000e+00 : f32
    %div3A_117 = vector.broadcast %div3A_116 : f32 to vector<16xf32>
    %div3A_118 = arith.divf %div3A_117, %add3A_115 : vector<16xf32>
    %swap3A_119 = arith.constant 96 : index
    %swap3A_120 = tpu.vector_load %arg5[%swap3A_119] {strides = array<i32>} : memref<208xf32, #tpu.memory_space<vmem>>, vector<16xf32>,
    %swap3A_121 = vector.shape_cast %swap3A_120 : vector<16xf32> to vector<16xf32>
    %swap3A_122 = vector.shape_cast %div3A_118 : vector<16xf32> to vector<16xf32>
    tpu.vector_store %arg5[%swap3A_119], %swap3A_122 {strides = array<i32>} : memref<208xf32, #tpu.memory_space<vmem>>, vector<16xf32>,
    %add3A_123 = arith.addf %add3A_105, %div3A_118 : vector<16xf32>
    %get3A_124 = arith.constant 112 : index
    %get3A_125 = tpu.vector_load %arg5[%get3A_124] {strides = array<i32>} : memref<208xf32, #tpu.memory_space<vmem>>, vector<16xf32>,
    %get3A_126 = vector.shape_cast %get3A_125 : vector<16xf32> to vector<16xf32>
    %mul3A_127 = arith.constant -5.000000e+00 : f32
    %mul3A_128 = vector.broadcast %mul3A_127 : f32 to vector<16xf32>
    %mul3A_129 = arith.mulf %mul3A_128, %get3A_126 : vector<16xf32>
    %exp3A_130 = math.exp %mul3A_129 : vector<16xf32>
    %add3A_131 = arith.constant 1.000000e+00 : f32
    %add3A_132 = vector.broadcast %add3A_131 : f32 to vector<16xf32>
    %add3A_133 = arith.addf %add3A_132, %exp3A_130 : vector<16xf32>
    %div3A_134 = arith.constant 1.000000e+00 : f32
    %div3A_135 = vector.broadcast %div3A_134 : f32 to vector<16xf32>
    %div3A_136 = arith.divf %div3A_135, %add3A_133 : vector<16xf32>
    %swap3A_137 = arith.constant 112 : index
    %swap3A_138 = tpu.vector_load %arg5[%swap3A_137] {strides = array<i32>} : memref<208xf32, #tpu.memory_space<vmem>>, vector<16xf32>,
    %swap3A_139 = vector.shape_cast %swap3A_138 : vector<16xf32> to vector<16xf32>
    %swap3A_140 = vector.shape_cast %div3A_136 : vector<16xf32> to vector<16xf32>
    tpu.vector_store %arg5[%swap3A_137], %swap3A_140 {strides = array<i32>} : memref<208xf32, #tpu.memory_space<vmem>>, vector<16xf32>,
    %add3A_141 = arith.addf %add3A_123, %div3A_136 : vector<16xf32>
    %get3A_142 = arith.constant 128 : index
    %get3A_143 = tpu.vector_load %arg5[%get3A_142] {strides = array<i32>} : memref<208xf32, #tpu.memory_space<vmem>>, vector<16xf32>,
    %get3A_144 = vector.shape_cast %get3A_143 : vector<16xf32> to vector<16xf32>
    %mul3A_145 = arith.constant -5.000000e+00 : f32
    %mul3A_146 = vector.broadcast %mul3A_145 : f32 to vector<16xf32>
    %mul3A_147 = arith.mulf %mul3A_146, %get3A_144 : vector<16xf32>
    %exp3A_148 = math.exp %mul3A_147 : vector<16xf32>
    %add3A_149 = arith.constant 1.000000e+00 : f32
    %add3A_150 = vector.broadcast %add3A_149 : f32 to vector<16xf32>
    %add3A_151 = arith.addf %add3A_150, %exp3A_148 : vector<16xf32>
    %div3A_152 = arith.constant 1.000000e+00 : f32
    %div3A_153 = vector.broadcast %div3A_152 : f32 to vector<16xf32>
    %div3A_154 = arith.divf %div3A_153, %add3A_151 : vector<16xf32>
    %swap3A_155 = arith.constant 128 : index
    %swap3A_156 = tpu.vector_load %arg5[%swap3A_155] {strides = array<i32>} : memref<208xf32, #tpu.memory_space<vmem>>, vector<16xf32>,
    %swap3A_157 = vector.shape_cast %swap3A_156 : vector<16xf32> to vector<16xf32>
    %swap3A_158 = vector.shape_cast %div3A_154 : vector<16xf32> to vector<16xf32>
    tpu.vector_store %arg5[%swap3A_155], %swap3A_158 {strides = array<i32>} : memref<208xf32, #tpu.memory_space<vmem>>, vector<16xf32>,
    %add3A_159 = arith.addf %add3A_141, %div3A_154 : vector<16xf32>
    %get3A_160 = arith.constant 144 : index
    %get3A_161 = tpu.vector_load %arg5[%get3A_160] {strides = array<i32>} : memref<208xf32, #tpu.memory_space<vmem>>, vector<16xf32>,
    %get3A_162 = vector.shape_cast %get3A_161 : vector<16xf32> to vector<16xf32>
    %mul3A_163 = arith.constant -5.000000e+00 : f32
    %mul3A_164 = vector.broadcast %mul3A_163 : f32 to vector<16xf32>
    %mul3A_165 = arith.mulf %mul3A_164, %get3A_162 : vector<16xf32>
    %exp3A_166 = math.exp %mul3A_165 : vector<16xf32>
    %add3A_167 = arith.constant 1.000000e+00 : f32
    %add3A_168 = vector.broadcast %add3A_167 : f32 to vector<16xf32>
    %add3A_169 = arith.addf %add3A_168, %exp3A_166 : vector<16xf32>
    %div3A_170 = arith.constant 1.000000e+00 : f32
    %div3A_171 = vector.broadcast %div3A_170 : f32 to vector<16xf32>
    %div3A_172 = arith.divf %div3A_171, %add3A_169 : vector<16xf32>
    %swap3A_173 = arith.constant 144 : index
    %swap3A_174 = tpu.vector_load %arg5[%swap3A_173] {strides = array<i32>} : memref<208xf32, #tpu.memory_space<vmem>>, vector<16xf32>,
    %swap3A_175 = vector.shape_cast %swap3A_174 : vector<16xf32> to vector<16xf32>
    %swap3A_176 = vector.shape_cast %div3A_172 : vector<16xf32> to vector<16xf32>
    tpu.vector_store %arg5[%swap3A_173], %swap3A_176 {strides = array<i32>} : memref<208xf32, #tpu.memory_space<vmem>>, vector<16xf32>,
    %add3A_177 = arith.addf %add3A_159, %div3A_172 : vector<16xf32>
    %get3A_178 = arith.constant 160 : index
    %get3A_179 = tpu.vector_load %arg5[%get3A_178] {strides = array<i32>} : memref<208xf32, #tpu.memory_space<vmem>>, vector<16xf32>,
    %get3A_180 = vector.shape_cast %get3A_179 : vector<16xf32> to vector<16xf32>
    %mul3A_181 = arith.constant -5.000000e+00 : f32
    %mul3A_182 = vector.broadcast %mul3A_181 : f32 to vector<16xf32>
    %mul3A_183 = arith.mulf %mul3A_182, %get3A_180 : vector<16xf32>
    %exp3A_184 = math.exp %mul3A_183 : vector<16xf32>
    %add3A_185 = arith.constant 1.000000e+00 : f32
    %add3A_186 = vector.broadcast %add3A_185 : f32 to vector<16xf32>
    %add3A_187 = arith.addf %add3A_186, %exp3A_184 : vector<16xf32>
    %div3A_188 = arith.constant 1.000000e+00 : f32
    %div3A_189 = vector.broadcast %div3A_188 : f32 to vector<16xf32>
    %div3A_190 = arith.divf %div3A_189, %add3A_187 : vector<16xf32>
    %swap3A_191 = arith.constant 160 : index
    %swap3A_192 = tpu.vector_load %arg5[%swap3A_191] {strides = array<i32>} : memref<208xf32, #tpu.memory_space<vmem>>, vector<16xf32>,
    %swap3A_193 = vector.shape_cast %swap3A_192 : vector<16xf32> to vector<16xf32>
    %swap3A_194 = vector.shape_cast %div3A_190 : vector<16xf32> to vector<16xf32>
    tpu.vector_store %arg5[%swap3A_191], %swap3A_194 {strides = array<i32>} : memref<208xf32, #tpu.memory_space<vmem>>, vector<16xf32>,
    %add3A_195 = arith.addf %add3A_177, %div3A_190 : vector<16xf32>
    %get3A_196 = arith.constant 176 : index
    %get3A_197 = tpu.vector_load %arg5[%get3A_196] {strides = array<i32>} : memref<208xf32, #tpu.memory_space<vmem>>, vector<16xf32>,
    %get3A_198 = vector.shape_cast %get3A_197 : vector<16xf32> to vector<16xf32>
    %mul3A_199 = arith.constant -5.000000e+00 : f32
    %mul3A_200 = vector.broadcast %mul3A_199 : f32 to vector<16xf32>
    %mul3A_201 = arith.mulf %mul3A_200, %get3A_198 : vector<16xf32>
    %exp3A_202 = math.exp %mul3A_201 : vector<16xf32>
    %add3A_203 = arith.constant 1.000000e+00 : f32
    %add3A_204 = vector.broadcast %add3A_203 : f32 to vector<16xf32>
    %add3A_205 = arith.addf %add3A_204, %exp3A_202 : vector<16xf32>
    %div3A_206 = arith.constant 1.000000e+00 : f32
    %div3A_207 = vector.broadcast %div3A_206 : f32 to vector<16xf32>
    %div3A_208 = arith.divf %div3A_207, %add3A_205 : vector<16xf32>
    %swap3A_209 = arith.constant 176 : index
    %swap3A_210 = tpu.vector_load %arg5[%swap3A_209] {strides = array<i32>} : memref<208xf32, #tpu.memory_space<vmem>>, vector<16xf32>,
    %swap3A_211 = vector.shape_cast %swap3A_210 : vector<16xf32> to vector<16xf32>
    %swap3A_212 = vector.shape_cast %div3A_208 : vector<16xf32> to vector<16xf32>
    tpu.vector_store %arg5[%swap3A_209], %swap3A_212 {strides = array<i32>} : memref<208xf32, #tpu.memory_space<vmem>>, vector<16xf32>,
    %add3A_213 = arith.addf %add3A_195, %div3A_208 : vector<16xf32>
    %get3A_214 = arith.constant 192 : index
    %get3A_215 = tpu.vector_load %arg5[%get3A_214] {strides = array<i32>} : memref<208xf32, #tpu.memory_space<vmem>>, vector<16xf32>,
    %get3A_216 = vector.shape_cast %get3A_215 : vector<16xf32> to vector<16xf32>
    %mul3A_217 = arith.constant -5.000000e+00 : f32
    %mul3A_218 = vector.broadcast %mul3A_217 : f32 to vector<16xf32>
    %mul3A_219 = arith.mulf %mul3A_218, %get3A_216 : vector<16xf32>
    %exp3A_220 = math.exp %mul3A_219 : vector<16xf32>
    %add3A_221 = arith.constant 1.000000e+00 : f32
    %add3A_222 = vector.broadcast %add3A_221 : f32 to vector<16xf32>
    %add3A_223 = arith.addf %add3A_222, %exp3A_220 : vector<16xf32>
    %div3A_224 = arith.constant 1.000000e+00 : f32
    %div3A_225 = vector.broadcast %div3A_224 : f32 to vector<16xf32>
    %div3A_226 = arith.divf %div3A_225, %add3A_223 : vector<16xf32>
    %swap3A_227 = arith.constant 192 : index
    %swap3A_228 = tpu.vector_load %arg5[%swap3A_227] {strides = array<i32>} : memref<208xf32, #tpu.memory_space<vmem>>, vector<16xf32>,
    %swap3A_229 = vector.shape_cast %swap3A_228 : vector<16xf32> to vector<16xf32>
    %swap3A_230 = vector.shape_cast %div3A_226 : vector<16xf32> to vector<16xf32>
    tpu.vector_store %arg5[%swap3A_227], %swap3A_230 {strides = array<i32>} : memref<208xf32, #tpu.memory_space<vmem>>, vector<16xf32>,
    %add3A_231 = arith.addf %add3A_213, %div3A_226 : vector<16xf32>
    %iota3A = tpu.iota {dimensions = array<i32: 0>} : vector<16xi32>
    %xor3A = arith.constant 8 : i32
    %xor3A_232 = vector.broadcast %xor3A : i32 to vector<16xi32>
    %xor3A_233 = arith.xori %iota3A, %xor3A_232 : vector<16xi32>
    %broadcast_in_dim3A_234 = vector.shape_cast %xor3A_233 : vector<16xi32> to vector<16x1xi32>
    %gather3A = vector.shape_cast %broadcast_in_dim3A_234 : vector<16x1xi32> to vector<16xi32>
    %gather3A_235 = tpu.dynamic_gather %add3A_231[%gather3A] in [0] : vector<16xf32>, vector<16xi32> -> vector<16xf32>
    %add3A_236 = arith.addf %add3A_231, %gather3A_235 : vector<16xf32>
    %xor3A_237 = arith.constant 4 : i32
    %xor3A_238 = vector.broadcast %xor3A_237 : i32 to vector<16xi32>
    %xor3A_239 = arith.xori %iota3A, %xor3A_238 : vector<16xi32>
    %broadcast_in_dim3A_240 = vector.shape_cast %xor3A_239 : vector<16xi32> to vector<16x1xi32>
    %gather3A_241 = vector.shape_cast %broadcast_in_dim3A_240 : vector<16x1xi32> to vector<16xi32>
    %gather3A_242 = tpu.dynamic_gather %add3A_236[%gather3A_241] in [0] : vector<16xf32>, vector<16xi32> -> vector<16xf32>
    %add3A_243 = arith.addf %add3A_236, %gather3A_242 : vector<16xf32>
    %xor3A_244 = arith.constant 2 : i32
    %xor3A_245 = vector.broadcast %xor3A_244 : i32 to vector<16xi32>
    %xor3A_246 = arith.xori %iota3A, %xor3A_245 : vector<16xi32>
    %broadcast_in_dim3A_247 = vector.shape_cast %xor3A_246 : vector<16xi32> to vector<16x1xi32>
    %gather3A_248 = vector.shape_cast %broadcast_in_dim3A_247 : vector<16x1xi32> to vector<16xi32>
    %gather3A_249 = tpu.dynamic_gather %add3A_243[%gather3A_248] in [0] : vector<16xf32>, vector<16xi32> -> vector<16xf32>
    %add3A_250 = arith.addf %add3A_243, %gather3A_249 : vector<16xf32>
    %xor3A_251 = arith.constant 1 : i32
    %xor3A_252 = vector.broadcast %xor3A_251 : i32 to vector<16xi32>
    %xor3A_253 = arith.xori %iota3A, %xor3A_252 : vector<16xi32>
    %broadcast_in_dim3A_254 = vector.shape_cast %xor3A_253 : vector<16xi32> to vector<16x1xi32>
    %gather3A_255 = vector.shape_cast %broadcast_in_dim3A_254 : vector<16x1xi32> to vector<16xi32>
    %gather3A_256 = tpu.dynamic_gather %add3A_250[%gather3A_255] in [0] : vector<16xf32>, vector<16xi32> -> vector<16xf32>
    %add3A_257 = arith.addf %add3A_250, %gather3A_256 : vector<16xf32>
    %mul3A_258 = arith.constant 0.00480769249 : f32
    %mul3A_259 = vector.broadcast %mul3A_258 : f32 to vector<16xf32>
    %mul3A_260 = arith.mulf %add3A_257, %mul3A_259 : vector<16xf32>
    %gt3A = arith.constant 1.250000e-01 : f32
    %gt3A_261 = vector.broadcast %gt3A : f32 to vector<16xf32>
    %gt3A_262 = arith.cmpf ogt, %mul3A_260, %gt3A_261 : vector<16xf32>
    %div3A_263 = arith.constant 1.250000e-01 : f32
    %div3A_264 = vector.broadcast %div3A_263 : f32 to vector<16xf32>
    %div3A_265 = arith.divf %div3A_264, %mul3A_260 : vector<16xf32>
    %sub3A = arith.constant 1.000000e+00 : f32
    %sub3A_266 = vector.broadcast %sub3A : f32 to vector<16xf32>
    %sub3A_267 = arith.subf %sub3A_266, %mul3A_260 : vector<16xf32>
    %div3A_268 = arith.constant 8.750000e-01 : f32
    %div3A_269 = vector.broadcast %div3A_268 : f32 to vector<16xf32>
    %div3A_270 = arith.divf %div3A_269, %sub3A_267 : vector<16xf32>
    %select_n3A = arith.select %gt3A_262, %div3A_265, %div3A_270 : vector<16xi1>, vector<16xf32>
    %sub3A_271 = arith.constant 1.000000e+00 : f32
    %sub3A_272 = vector.broadcast %sub3A_271 : f32 to vector<16xf32>
    %sub3A_273 = arith.subf %sub3A_272, %div3A_270 : vector<16xf32>
    %jit3A = arith.constant 0.000000e+00 : f32
    %broadcast_in_dim3A_274 = vector.broadcast %jit3A : f32 to vector<16xf32>
    %select_n3A_275 = arith.select %gt3A_262, %broadcast_in_dim3A_274, %sub3A_273 : vector<16xi1>, vector<16xf32>
    tpu.wait_dma2 semaphore(%arg9 : memref<!tpu.dma_semaphore, #tpu.memory_space<semaphore_mem>>) src(%arg3 : memref<208xf32, #tpu.memory_space<hbm>>) dst(%arg6 : memref<208xf32, #tpu.memory_space<vmem>>)
    %get3A_276 = arith.constant 0 : index
    %get3A_277 = tpu.vector_load %arg5[%get3A_276] {strides = array<i32>} : memref<208xf32, #tpu.memory_space<vmem>>, vector<16xf32>,
    %get3A_278 = vector.shape_cast %get3A_277 : vector<16xf32> to vector<16xf32>
    %get3A_279 = arith.constant 0 : index
    %get3A_280 = tpu.vector_load %arg6[%get3A_279] {strides = array<i32>} : memref<208xf32, #tpu.memory_space<vmem>>, vector<16xf32>,
    %get3A_281 = vector.shape_cast %get3A_280 : vector<16xf32> to vector<16xf32>
    %mul3A_282 = arith.mulf %select_n3A, %get3A_278 : vector<16xf32>
    %add3A_283 = arith.addf %mul3A_282, %select_n3A_275 : vector<16xf32>
    %sub3A_284 = arith.subf %add3A_283, %get3A_281 : vector<16xf32>
    %mul3A_285 = arith.constant -1.200000e+01 : f32
    %mul3A_286 = vector.broadcast %mul3A_285 : f32 to vector<16xf32>
    %mul3A_287 = arith.mulf %mul3A_286, %sub3A_284 : vector<16xf32>
    %exp3A_288 = math.exp %mul3A_287 : vector<16xf32>
    %add3A_289 = arith.constant 1.000000e+00 : f32
    %add3A_290 = vector.broadcast %add3A_289 : f32 to vector<16xf32>
    %add3A_291 = arith.addf %add3A_290, %exp3A_288 : vector<16xf32>
    %div3A_292 = arith.constant 1.000000e+00 : f32
    %div3A_293 = vector.broadcast %div3A_292 : f32 to vector<16xf32>
    %div3A_294 = arith.divf %div3A_293, %add3A_291 : vector<16xf32>
    %swap3A_295 = arith.constant 0 : i32
    %swap3A_296 = arith.index_cast %swap3A_295 : i32 to index
    %swap3A_297 = arith.constant 0 : index
    %swap3A_298 = tpu.vector_load %arg7[%swap3A_296, %swap3A_297] {strides = array<i32>} : memref<8x208xf32, #tpu.memory_space<vmem>>, vector<1x16xf32>,
    %swap3A_299 = vector.shape_cast %swap3A_298 : vector<1x16xf32> to vector<16xf32>
    %swap3A_300 = vector.shape_cast %div3A_294 : vector<16xf32> to vector<1x16xf32>
    tpu.vector_store %arg7[%swap3A_296, %swap3A_297], %swap3A_300 {strides = array<i32>} : memref<8x208xf32, #tpu.memory_space<vmem>>, vector<1x16xf32>,
    %swap3A_301 = arith.constant 1 : i32
    %swap3A_302 = arith.index_cast %swap3A_301 : i32 to index
    %swap3A_303 = arith.constant 0 : index
    %swap3A_304 = tpu.vector_load %arg7[%swap3A_302, %swap3A_303] {strides = array<i32>} : memref<8x208xf32, #tpu.memory_space<vmem>>, vector<1x16xf32>,
    %swap3A_305 = vector.shape_cast %swap3A_304 : vector<1x16xf32> to vector<16xf32>
    %swap3A_306 = vector.shape_cast %div3A_294 : vector<16xf32> to vector<1x16xf32>
    tpu.vector_store %arg7[%swap3A_302, %swap3A_303], %swap3A_306 {strides = array<i32>} : memref<8x208xf32, #tpu.memory_space<vmem>>, vector<1x16xf32>,
    %swap3A_307 = arith.constant 2 : i32
    %swap3A_308 = arith.index_cast %swap3A_307 : i32 to index
    %swap3A_309 = arith.constant 0 : index
    %swap3A_310 = tpu.vector_load %arg7[%swap3A_308, %swap3A_309] {strides = array<i32>} : memref<8x208xf32, #tpu.memory_space<vmem>>, vector<1x16xf32>,
    %swap3A_311 = vector.shape_cast %swap3A_310 : vector<1x16xf32> to vector<16xf32>
    %swap3A_312 = vector.shape_cast %div3A_294 : vector<16xf32> to vector<1x16xf32>
    tpu.vector_store %arg7[%swap3A_308, %swap3A_309], %swap3A_312 {strides = array<i32>} : memref<8x208xf32, #tpu.memory_space<vmem>>, vector<1x16xf32>,
    %swap3A_313 = arith.constant 3 : i32
    %swap3A_314 = arith.index_cast %swap3A_313 : i32 to index
    %swap3A_315 = arith.constant 0 : index
    %swap3A_316 = tpu.vector_load %arg7[%swap3A_314, %swap3A_315] {strides = array<i32>} : memref<8x208xf32, #tpu.memory_space<vmem>>, vector<1x16xf32>,
    %swap3A_317 = vector.shape_cast %swap3A_316 : vector<1x16xf32> to vector<16xf32>
    %swap3A_318 = vector.shape_cast %div3A_294 : vector<16xf32> to vector<1x16xf32>
    tpu.vector_store %arg7[%swap3A_314, %swap3A_315], %swap3A_318 {strides = array<i32>} : memref<8x208xf32, #tpu.memory_space<vmem>>, vector<1x16xf32>,
    %swap3A_319 = arith.constant 4 : i32
    %swap3A_320 = arith.index_cast %swap3A_319 : i32 to index
    %swap3A_321 = arith.constant 0 : index
    %swap3A_322 = tpu.vector_load %arg7[%swap3A_320, %swap3A_321] {strides = array<i32>} : memref<8x208xf32, #tpu.memory_space<vmem>>, vector<1x16xf32>,
    %swap3A_323 = vector.shape_cast %swap3A_322 : vector<1x16xf32> to vector<16xf32>
    %swap3A_324 = vector.shape_cast %div3A_294 : vector<16xf32> to vector<1x16xf32>
    tpu.vector_store %arg7[%swap3A_320, %swap3A_321], %swap3A_324 {strides = array<i32>} : memref<8x208xf32, #tpu.memory_space<vmem>>, vector<1x16xf32>,
    %swap3A_325 = arith.constant 5 : i32
    %swap3A_326 = arith.index_cast %swap3A_325 : i32 to index
    %swap3A_327 = arith.constant 0 : index
    %swap3A_328 = tpu.vector_load %arg7[%swap3A_326, %swap3A_327] {strides = array<i32>} : memref<8x208xf32, #tpu.memory_space<vmem>>, vector<1x16xf32>,
    %swap3A_329 = vector.shape_cast %swap3A_328 : vector<1x16xf32> to vector<16xf32>
    %swap3A_330 = vector.shape_cast %div3A_294 : vector<16xf32> to vector<1x16xf32>
    tpu.vector_store %arg7[%swap3A_326, %swap3A_327], %swap3A_330 {strides = array<i32>} : memref<8x208xf32, #tpu.memory_space<vmem>>, vector<1x16xf32>,
    %swap3A_331 = arith.constant 6 : i32
    %swap3A_332 = arith.index_cast %swap3A_331 : i32 to index
    %swap3A_333 = arith.constant 0 : index
    %swap3A_334 = tpu.vector_load %arg7[%swap3A_332, %swap3A_333] {strides = array<i32>} : memref<8x208xf32, #tpu.memory_space<vmem>>, vector<1x16xf32>,
    %swap3A_335 = vector.shape_cast %swap3A_334 : vector<1x16xf32> to vector<16xf32>
    %swap3A_336 = vector.shape_cast %div3A_294 : vector<16xf32> to vector<1x16xf32>
    tpu.vector_store %arg7[%swap3A_332, %swap3A_333], %swap3A_336 {strides = array<i32>} : memref<8x208xf32, #tpu.memory_space<vmem>>, vector<1x16xf32>,
    %swap3A_337 = arith.constant 7 : i32
    %swap3A_338 = arith.index_cast %swap3A_337 : i32 to index
    %swap3A_339 = arith.constant 0 : index
    %swap3A_340 = tpu.vector_load %arg7[%swap3A_338, %swap3A_339] {strides = array<i32>} : memref<8x208xf32, #tpu.memory_space<vmem>>, vector<1x16xf32>,
    %swap3A_341 = vector.shape_cast %swap3A_340 : vector<1x16xf32> to vector<16xf32>
    %swap3A_342 = vector.shape_cast %div3A_294 : vector<16xf32> to vector<1x16xf32>
    tpu.vector_store %arg7[%swap3A_338, %swap3A_339], %swap3A_342 {strides = array<i32>} : memref<8x208xf32, #tpu.memory_space<vmem>>, vector<1x16xf32>,
    %get3A_343 = arith.constant 16 : index
    %get3A_344 = tpu.vector_load %arg5[%get3A_343] {strides = array<i32>} : memref<208xf32, #tpu.memory_space<vmem>>, vector<16xf32>,
    %get3A_345 = vector.shape_cast %get3A_344 : vector<16xf32> to vector<16xf32>
    %get3A_346 = arith.constant 16 : index
    %get3A_347 = tpu.vector_load %arg6[%get3A_346] {strides = array<i32>} : memref<208xf32, #tpu.memory_space<vmem>>, vector<16xf32>,
    %get3A_348 = vector.shape_cast %get3A_347 : vector<16xf32> to vector<16xf32>
    %mul3A_349 = arith.mulf %select_n3A, %get3A_345 : vector<16xf32>
    %add3A_350 = arith.addf %mul3A_349, %select_n3A_275 : vector<16xf32>
    %sub3A_351 = arith.subf %add3A_350, %get3A_348 : vector<16xf32>
    %mul3A_352 = arith.constant -1.200000e+01 : f32
    %mul3A_353 = vector.broadcast %mul3A_352 : f32 to vector<16xf32>
    %mul3A_354 = arith.mulf %mul3A_353, %sub3A_351 : vector<16xf32>
    %exp3A_355 = math.exp %mul3A_354 : vector<16xf32>
    %add3A_356 = arith.constant 1.000000e+00 : f32
    %add3A_357 = vector.broadcast %add3A_356 : f32 to vector<16xf32>
    %add3A_358 = arith.addf %add3A_357, %exp3A_355 : vector<16xf32>
    %div3A_359 = arith.constant 1.000000e+00 : f32
    %div3A_360 = vector.broadcast %div3A_359 : f32 to vector<16xf32>
    %div3A_361 = arith.divf %div3A_360, %add3A_358 : vector<16xf32>
    %swap3A_362 = arith.constant 0 : i32
    %swap3A_363 = arith.index_cast %swap3A_362 : i32 to index
    %swap3A_364 = arith.constant 16 : index
    %swap3A_365 = tpu.vector_load %arg7[%swap3A_363, %swap3A_364] {strides = array<i32>} : memref<8x208xf32, #tpu.memory_space<vmem>>, vector<1x16xf32>,
    %swap3A_366 = vector.shape_cast %swap3A_365 : vector<1x16xf32> to vector<16xf32>
    %swap3A_367 = vector.shape_cast %div3A_361 : vector<16xf32> to vector<1x16xf32>
    tpu.vector_store %arg7[%swap3A_363, %swap3A_364], %swap3A_367 {strides = array<i32>} : memref<8x208xf32, #tpu.memory_space<vmem>>, vector<1x16xf32>,
    %swap3A_368 = arith.constant 1 : i32
    %swap3A_369 = arith.index_cast %swap3A_368 : i32 to index
    %swap3A_370 = arith.constant 16 : index
    %swap3A_371 = tpu.vector_load %arg7[%swap3A_369, %swap3A_370] {strides = array<i32>} : memref<8x208xf32, #tpu.memory_space<vmem>>, vector<1x16xf32>,
    %swap3A_372 = vector.shape_cast %swap3A_371 : vector<1x16xf32> to vector<16xf32>
    %swap3A_373 = vector.shape_cast %div3A_361 : vector<16xf32> to vector<1x16xf32>
    tpu.vector_store %arg7[%swap3A_369, %swap3A_370], %swap3A_373 {strides = array<i32>} : memref<8x208xf32, #tpu.memory_space<vmem>>, vector<1x16xf32>,
    %swap3A_374 = arith.constant 2 : i32
    %swap3A_375 = arith.index_cast %swap3A_374 : i32 to index
    %swap3A_376 = arith.constant 16 : index
    %swap3A_377 = tpu.vector_load %arg7[%swap3A_375, %swap3A_376] {strides = array<i32>} : memref<8x208xf32, #tpu.memory_space<vmem>>, vector<1x16xf32>,
    %swap3A_378 = vector.shape_cast %swap3A_377 : vector<1x16xf32> to vector<16xf32>
    %swap3A_379 = vector.shape_cast %div3A_361 : vector<16xf32> to vector<1x16xf32>
    tpu.vector_store %arg7[%swap3A_375, %swap3A_376], %swap3A_379 {strides = array<i32>} : memref<8x208xf32, #tpu.memory_space<vmem>>, vector<1x16xf32>,
    %swap3A_380 = arith.constant 3 : i32
    %swap3A_381 = arith.index_cast %swap3A_380 : i32 to index
    %swap3A_382 = arith.constant 16 : index
    %swap3A_383 = tpu.vector_load %arg7[%swap3A_381, %swap3A_382] {strides = array<i32>} : memref<8x208xf32, #tpu.memory_space<vmem>>, vector<1x16xf32>,
    %swap3A_384 = vector.shape_cast %swap3A_383 : vector<1x16xf32> to vector<16xf32>
    %swap3A_385 = vector.shape_cast %div3A_361 : vector<16xf32> to vector<1x16xf32>
    tpu.vector_store %arg7[%swap3A_381, %swap3A_382], %swap3A_385 {strides = array<i32>} : memref<8x208xf32, #tpu.memory_space<vmem>>, vector<1x16xf32>,
    %swap3A_386 = arith.constant 4 : i32
    %swap3A_387 = arith.index_cast %swap3A_386 : i32 to index
    %swap3A_388 = arith.constant 16 : index
    %swap3A_389 = tpu.vector_load %arg7[%swap3A_387, %swap3A_388] {strides = array<i32>} : memref<8x208xf32, #tpu.memory_space<vmem>>, vector<1x16xf32>,
    %swap3A_390 = vector.shape_cast %swap3A_389 : vector<1x16xf32> to vector<16xf32>
    %swap3A_391 = vector.shape_cast %div3A_361 : vector<16xf32> to vector<1x16xf32>
    tpu.vector_store %arg7[%swap3A_387, %swap3A_388], %swap3A_391 {strides = array<i32>} : memref<8x208xf32, #tpu.memory_space<vmem>>, vector<1x16xf32>,
    %swap3A_392 = arith.constant 5 : i32
    %swap3A_393 = arith.index_cast %swap3A_392 : i32 to index
    %swap3A_394 = arith.constant 16 : index
    %swap3A_395 = tpu.vector_load %arg7[%swap3A_393, %swap3A_394] {strides = array<i32>} : memref<8x208xf32, #tpu.memory_space<vmem>>, vector<1x16xf32>,
    %swap3A_396 = vector.shape_cast %swap3A_395 : vector<1x16xf32> to vector<16xf32>
    %swap3A_397 = vector.shape_cast %div3A_361 : vector<16xf32> to vector<1x16xf32>
    tpu.vector_store %arg7[%swap3A_393, %swap3A_394], %swap3A_397 {strides = array<i32>} : memref<8x208xf32, #tpu.memory_space<vmem>>, vector<1x16xf32>,
    %swap3A_398 = arith.constant 6 : i32
    %swap3A_399 = arith.index_cast %swap3A_398 : i32 to index
    %swap3A_400 = arith.constant 16 : index
    %swap3A_401 = tpu.vector_load %arg7[%swap3A_399, %swap3A_400] {strides = array<i32>} : memref<8x208xf32, #tpu.memory_space<vmem>>, vector<1x16xf32>,
    %swap3A_402 = vector.shape_cast %swap3A_401 : vector<1x16xf32> to vector<16xf32>
    %swap3A_403 = vector.shape_cast %div3A_361 : vector<16xf32> to vector<1x16xf32>
    tpu.vector_store %arg7[%swap3A_399, %swap3A_400], %swap3A_403 {strides = array<i32>} : memref<8x208xf32, #tpu.memory_space<vmem>>, vector<1x16xf32>,
    %swap3A_404 = arith.constant 7 : i32
    %swap3A_405 = arith.index_cast %swap3A_404 : i32 to index
    %swap3A_406 = arith.constant 16 : index
    %swap3A_407 = tpu.vector_load %arg7[%swap3A_405, %swap3A_406] {strides = array<i32>} : memref<8x208xf32, #tpu.memory_space<vmem>>, vector<1x16xf32>,
    %swap3A_408 = vector.shape_cast %swap3A_407 : vector<1x16xf32> to vector<16xf32>
    %swap3A_409 = vector.shape_cast %div3A_361 : vector<16xf32> to vector<1x16xf32>
    tpu.vector_store %arg7[%swap3A_405, %swap3A_406], %swap3A_409 {strides = array<i32>} : memref<8x208xf32, #tpu.memory_space<vmem>>, vector<1x16xf32>,
    %get3A_410 = arith.constant 32 : index
    %get3A_411 = tpu.vector_load %arg5[%get3A_410] {strides = array<i32>} : memref<208xf32, #tpu.memory_space<vmem>>, vector<16xf32>,
    %get3A_412 = vector.shape_cast %get3A_411 : vector<16xf32> to vector<16xf32>
    %get3A_413 = arith.constant 32 : index
    %get3A_414 = tpu.vector_load %arg6[%get3A_413] {strides = array<i32>} : memref<208xf32, #tpu.memory_space<vmem>>, vector<16xf32>,
    %get3A_415 = vector.shape_cast %get3A_414 : vector<16xf32> to vector<16xf32>
    %mul3A_416 = arith.mulf %select_n3A, %get3A_412 : vector<16xf32>
    %add3A_417 = arith.addf %mul3A_416, %select_n3A_275 : vector<16xf32>
    %sub3A_418 = arith.subf %add3A_417, %get3A_415 : vector<16xf32>
    %mul3A_419 = arith.constant -1.200000e+01 : f32
    %mul3A_420 = vector.broadcast %mul3A_419 : f32 to vector<16xf32>
    %mul3A_421 = arith.mulf %mul3A_420, %sub3A_418 : vector<16xf32>
    %exp3A_422 = math.exp %mul3A_421 : vector<16xf32>
    %add3A_423 = arith.constant 1.000000e+00 : f32
    %add3A_424 = vector.broadcast %add3A_423 : f32 to vector<16xf32>
    %add3A_425 = arith.addf %add3A_424, %exp3A_422 : vector<16xf32>
    %div3A_426 = arith.constant 1.000000e+00 : f32
    %div3A_427 = vector.broadcast %div3A_426 : f32 to vector<16xf32>
    %div3A_428 = arith.divf %div3A_427, %add3A_425 : vector<16xf32>
    %swap3A_429 = arith.constant 0 : i32
    %swap3A_430 = arith.index_cast %swap3A_429 : i32 to index
    %swap3A_431 = arith.constant 32 : index
    %swap3A_432 = tpu.vector_load %arg7[%swap3A_430, %swap3A_431] {strides = array<i32>} : memref<8x208xf32, #tpu.memory_space<vmem>>, vector<1x16xf32>,
    %swap3A_433 = vector.shape_cast %swap3A_432 : vector<1x16xf32> to vector<16xf32>
    %swap3A_434 = vector.shape_cast %div3A_428 : vector<16xf32> to vector<1x16xf32>
    tpu.vector_store %arg7[%swap3A_430, %swap3A_431], %swap3A_434 {strides = array<i32>} : memref<8x208xf32, #tpu.memory_space<vmem>>, vector<1x16xf32>,
    %swap3A_435 = arith.constant 1 : i32
    %swap3A_436 = arith.index_cast %swap3A_435 : i32 to index
    %swap3A_437 = arith.constant 32 : index
    %swap3A_438 = tpu.vector_load %arg7[%swap3A_436, %swap3A_437] {strides = array<i32>} : memref<8x208xf32, #tpu.memory_space<vmem>>, vector<1x16xf32>,
    %swap3A_439 = vector.shape_cast %swap3A_438 : vector<1x16xf32> to vector<16xf32>
    %swap3A_440 = vector.shape_cast %div3A_428 : vector<16xf32> to vector<1x16xf32>
    tpu.vector_store %arg7[%swap3A_436, %swap3A_437], %swap3A_440 {strides = array<i32>} : memref<8x208xf32, #tpu.memory_space<vmem>>, vector<1x16xf32>,
    %swap3A_441 = arith.constant 2 : i32
    %swap3A_442 = arith.index_cast %swap3A_441 : i32 to index
    %swap3A_443 = arith.constant 32 : index
    %swap3A_444 = tpu.vector_load %arg7[%swap3A_442, %swap3A_443] {strides = array<i32>} : memref<8x208xf32, #tpu.memory_space<vmem>>, vector<1x16xf32>,
    %swap3A_445 = vector.shape_cast %swap3A_444 : vector<1x16xf32> to vector<16xf32>
    %swap3A_446 = vector.shape_cast %div3A_428 : vector<16xf32> to vector<1x16xf32>
    tpu.vector_store %arg7[%swap3A_442, %swap3A_443], %swap3A_446 {strides = array<i32>} : memref<8x208xf32, #tpu.memory_space<vmem>>, vector<1x16xf32>,
    %swap3A_447 = arith.constant 3 : i32
    %swap3A_448 = arith.index_cast %swap3A_447 : i32 to index
    %swap3A_449 = arith.constant 32 : index
    %swap3A_450 = tpu.vector_load %arg7[%swap3A_448, %swap3A_449] {strides = array<i32>} : memref<8x208xf32, #tpu.memory_space<vmem>>, vector<1x16xf32>,
    %swap3A_451 = vector.shape_cast %swap3A_450 : vector<1x16xf32> to vector<16xf32>
    %swap3A_452 = vector.shape_cast %div3A_428 : vector<16xf32> to vector<1x16xf32>
    tpu.vector_store %arg7[%swap3A_448, %swap3A_449], %swap3A_452 {strides = array<i32>} : memref<8x208xf32, #tpu.memory_space<vmem>>, vector<1x16xf32>,
    %swap3A_453 = arith.constant 4 : i32
    %swap3A_454 = arith.index_cast %swap3A_453 : i32 to index
    %swap3A_455 = arith.constant 32 : index
    %swap3A_456 = tpu.vector_load %arg7[%swap3A_454, %swap3A_455] {strides = array<i32>} : memref<8x208xf32, #tpu.memory_space<vmem>>, vector<1x16xf32>,
    %swap3A_457 = vector.shape_cast %swap3A_456 : vector<1x16xf32> to vector<16xf32>
    %swap3A_458 = vector.shape_cast %div3A_428 : vector<16xf32> to vector<1x16xf32>
    tpu.vector_store %arg7[%swap3A_454, %swap3A_455], %swap3A_458 {strides = array<i32>} : memref<8x208xf32, #tpu.memory_space<vmem>>, vector<1x16xf32>,
    %swap3A_459 = arith.constant 5 : i32
    %swap3A_460 = arith.index_cast %swap3A_459 : i32 to index
    %swap3A_461 = arith.constant 32 : index
    %swap3A_462 = tpu.vector_load %arg7[%swap3A_460, %swap3A_461] {strides = array<i32>} : memref<8x208xf32, #tpu.memory_space<vmem>>, vector<1x16xf32>,
    %swap3A_463 = vector.shape_cast %swap3A_462 : vector<1x16xf32> to vector<16xf32>
    %swap3A_464 = vector.shape_cast %div3A_428 : vector<16xf32> to vector<1x16xf32>
    tpu.vector_store %arg7[%swap3A_460, %swap3A_461], %swap3A_464 {strides = array<i32>} : memref<8x208xf32, #tpu.memory_space<vmem>>, vector<1x16xf32>,
    %swap3A_465 = arith.constant 6 : i32
    %swap3A_466 = arith.index_cast %swap3A_465 : i32 to index
    %swap3A_467 = arith.constant 32 : index
    %swap3A_468 = tpu.vector_load %arg7[%swap3A_466, %swap3A_467] {strides = array<i32>} : memref<8x208xf32, #tpu.memory_space<vmem>>, vector<1x16xf32>,
    %swap3A_469 = vector.shape_cast %swap3A_468 : vector<1x16xf32> to vector<16xf32>
    %swap3A_470 = vector.shape_cast %div3A_428 : vector<16xf32> to vector<1x16xf32>
    tpu.vector_store %arg7[%swap3A_466, %swap3A_467], %swap3A_470 {strides = array<i32>} : memref<8x208xf32, #tpu.memory_space<vmem>>, vector<1x16xf32>,
    %swap3A_471 = arith.constant 7 : i32
    %swap3A_472 = arith.index_cast %swap3A_471 : i32 to index
    %swap3A_473 = arith.constant 32 : index
    %swap3A_474 = tpu.vector_load %arg7[%swap3A_472, %swap3A_473] {strides = array<i32>} : memref<8x208xf32, #tpu.memory_space<vmem>>, vector<1x16xf32>,
    %swap3A_475 = vector.shape_cast %swap3A_474 : vector<1x16xf32> to vector<16xf32>
    %swap3A_476 = vector.shape_cast %div3A_428 : vector<16xf32> to vector<1x16xf32>
    tpu.vector_store %arg7[%swap3A_472, %swap3A_473], %swap3A_476 {strides = array<i32>} : memref<8x208xf32, #tpu.memory_space<vmem>>, vector<1x16xf32>,
    %get3A_477 = arith.constant 48 : index
    %get3A_478 = tpu.vector_load %arg5[%get3A_477] {strides = array<i32>} : memref<208xf32, #tpu.memory_space<vmem>>, vector<16xf32>,
    %get3A_479 = vector.shape_cast %get3A_478 : vector<16xf32> to vector<16xf32>
    %get3A_480 = arith.constant 48 : index
    %get3A_481 = tpu.vector_load %arg6[%get3A_480] {strides = array<i32>} : memref<208xf32, #tpu.memory_space<vmem>>, vector<16xf32>,
    %get3A_482 = vector.shape_cast %get3A_481 : vector<16xf32> to vector<16xf32>
    %mul3A_483 = arith.mulf %select_n3A, %get3A_479 : vector<16xf32>
    %add3A_484 = arith.addf %mul3A_483, %select_n3A_275 : vector<16xf32>
    %sub3A_485 = arith.subf %add3A_484, %get3A_482 : vector<16xf32>
    %mul3A_486 = arith.constant -1.200000e+01 : f32
    %mul3A_487 = vector.broadcast %mul3A_486 : f32 to vector<16xf32>
    %mul3A_488 = arith.mulf %mul3A_487, %sub3A_485 : vector<16xf32>
    %exp3A_489 = math.exp %mul3A_488 : vector<16xf32>
    %add3A_490 = arith.constant 1.000000e+00 : f32
    %add3A_491 = vector.broadcast %add3A_490 : f32 to vector<16xf32>
    %add3A_492 = arith.addf %add3A_491, %exp3A_489 : vector<16xf32>
    %div3A_493 = arith.constant 1.000000e+00 : f32
    %div3A_494 = vector.broadcast %div3A_493 : f32 to vector<16xf32>
    %div3A_495 = arith.divf %div3A_494, %add3A_492 : vector<16xf32>
    %swap3A_496 = arith.constant 0 : i32
    %swap3A_497 = arith.index_cast %swap3A_496 : i32 to index
    %swap3A_498 = arith.constant 48 : index
    %swap3A_499 = tpu.vector_load %arg7[%swap3A_497, %swap3A_498] {strides = array<i32>} : memref<8x208xf32, #tpu.memory_space<vmem>>, vector<1x16xf32>,
    %swap3A_500 = vector.shape_cast %swap3A_499 : vector<1x16xf32> to vector<16xf32>
    %swap3A_501 = vector.shape_cast %div3A_495 : vector<16xf32> to vector<1x16xf32>
    tpu.vector_store %arg7[%swap3A_497, %swap3A_498], %swap3A_501 {strides = array<i32>} : memref<8x208xf32, #tpu.memory_space<vmem>>, vector<1x16xf32>,
    %swap3A_502 = arith.constant 1 : i32
    %swap3A_503 = arith.index_cast %swap3A_502 : i32 to index
    %swap3A_504 = arith.constant 48 : index
    %swap3A_505 = tpu.vector_load %arg7[%swap3A_503, %swap3A_504] {strides = array<i32>} : memref<8x208xf32, #tpu.memory_space<vmem>>, vector<1x16xf32>,
    %swap3A_506 = vector.shape_cast %swap3A_505 : vector<1x16xf32> to vector<16xf32>
    %swap3A_507 = vector.shape_cast %div3A_495 : vector<16xf32> to vector<1x16xf32>
    tpu.vector_store %arg7[%swap3A_503, %swap3A_504], %swap3A_507 {strides = array<i32>} : memref<8x208xf32, #tpu.memory_space<vmem>>, vector<1x16xf32>,
    %swap3A_508 = arith.constant 2 : i32
    %swap3A_509 = arith.index_cast %swap3A_508 : i32 to index
    %swap3A_510 = arith.constant 48 : index
    %swap3A_511 = tpu.vector_load %arg7[%swap3A_509, %swap3A_510] {strides = array<i32>} : memref<8x208xf32, #tpu.memory_space<vmem>>, vector<1x16xf32>,
    %swap3A_512 = vector.shape_cast %swap3A_511 : vector<1x16xf32> to vector<16xf32>
    %swap3A_513 = vector.shape_cast %div3A_495 : vector<16xf32> to vector<1x16xf32>
    tpu.vector_store %arg7[%swap3A_509, %swap3A_510], %swap3A_513 {strides = array<i32>} : memref<8x208xf32, #tpu.memory_space<vmem>>, vector<1x16xf32>,
    %swap3A_514 = arith.constant 3 : i32
    %swap3A_515 = arith.index_cast %swap3A_514 : i32 to index
    %swap3A_516 = arith.constant 48 : index
    %swap3A_517 = tpu.vector_load %arg7[%swap3A_515, %swap3A_516] {strides = array<i32>} : memref<8x208xf32, #tpu.memory_space<vmem>>, vector<1x16xf32>,
    %swap3A_518 = vector.shape_cast %swap3A_517 : vector<1x16xf32> to vector<16xf32>
    %swap3A_519 = vector.shape_cast %div3A_495 : vector<16xf32> to vector<1x16xf32>
    tpu.vector_store %arg7[%swap3A_515, %swap3A_516], %swap3A_519 {strides = array<i32>} : memref<8x208xf32, #tpu.memory_space<vmem>>, vector<1x16xf32>,
    %swap3A_520 = arith.constant 4 : i32
    %swap3A_521 = arith.index_cast %swap3A_520 : i32 to index
    %swap3A_522 = arith.constant 48 : index
    %swap3A_523 = tpu.vector_load %arg7[%swap3A_521, %swap3A_522] {strides = array<i32>} : memref<8x208xf32, #tpu.memory_space<vmem>>, vector<1x16xf32>,
    %swap3A_524 = vector.shape_cast %swap3A_523 : vector<1x16xf32> to vector<16xf32>
    %swap3A_525 = vector.shape_cast %div3A_495 : vector<16xf32> to vector<1x16xf32>
    tpu.vector_store %arg7[%swap3A_521, %swap3A_522], %swap3A_525 {strides = array<i32>} : memref<8x208xf32, #tpu.memory_space<vmem>>, vector<1x16xf32>,
    %swap3A_526 = arith.constant 5 : i32
    %swap3A_527 = arith.index_cast %swap3A_526 : i32 to index
    %swap3A_528 = arith.constant 48 : index
    %swap3A_529 = tpu.vector_load %arg7[%swap3A_527, %swap3A_528] {strides = array<i32>} : memref<8x208xf32, #tpu.memory_space<vmem>>, vector<1x16xf32>,
    %swap3A_530 = vector.shape_cast %swap3A_529 : vector<1x16xf32> to vector<16xf32>
    %swap3A_531 = vector.shape_cast %div3A_495 : vector<16xf32> to vector<1x16xf32>
    tpu.vector_store %arg7[%swap3A_527, %swap3A_528], %swap3A_531 {strides = array<i32>} : memref<8x208xf32, #tpu.memory_space<vmem>>, vector<1x16xf32>,
    %swap3A_532 = arith.constant 6 : i32
    %swap3A_533 = arith.index_cast %swap3A_532 : i32 to index
    %swap3A_534 = arith.constant 48 : index
    %swap3A_535 = tpu.vector_load %arg7[%swap3A_533, %swap3A_534] {strides = array<i32>} : memref<8x208xf32, #tpu.memory_space<vmem>>, vector<1x16xf32>,
    %swap3A_536 = vector.shape_cast %swap3A_535 : vector<1x16xf32> to vector<16xf32>
    %swap3A_537 = vector.shape_cast %div3A_495 : vector<16xf32> to vector<1x16xf32>
    tpu.vector_store %arg7[%swap3A_533, %swap3A_534], %swap3A_537 {strides = array<i32>} : memref<8x208xf32, #tpu.memory_space<vmem>>, vector<1x16xf32>,
    %swap3A_538 = arith.constant 7 : i32
    %swap3A_539 = arith.index_cast %swap3A_538 : i32 to index
    %swap3A_540 = arith.constant 48 : index
    %swap3A_541 = tpu.vector_load %arg7[%swap3A_539, %swap3A_540] {strides = array<i32>} : memref<8x208xf32, #tpu.memory_space<vmem>>, vector<1x16xf32>,
    %swap3A_542 = vector.shape_cast %swap3A_541 : vector<1x16xf32> to vector<16xf32>
    %swap3A_543 = vector.shape_cast %div3A_495 : vector<16xf32> to vector<1x16xf32>
    tpu.vector_store %arg7[%swap3A_539, %swap3A_540], %swap3A_543 {strides = array<i32>} : memref<8x208xf32, #tpu.memory_space<vmem>>, vector<1x16xf32>,
    %get3A_544 = arith.constant 64 : index
    %get3A_545 = tpu.vector_load %arg5[%get3A_544] {strides = array<i32>} : memref<208xf32, #tpu.memory_space<vmem>>, vector<16xf32>,
    %get3A_546 = vector.shape_cast %get3A_545 : vector<16xf32> to vector<16xf32>
    %get3A_547 = arith.constant 64 : index
    %get3A_548 = tpu.vector_load %arg6[%get3A_547] {strides = array<i32>} : memref<208xf32, #tpu.memory_space<vmem>>, vector<16xf32>,
    %get3A_549 = vector.shape_cast %get3A_548 : vector<16xf32> to vector<16xf32>
    %mul3A_550 = arith.mulf %select_n3A, %get3A_546 : vector<16xf32>
    %add3A_551 = arith.addf %mul3A_550, %select_n3A_275 : vector<16xf32>
    %sub3A_552 = arith.subf %add3A_551, %get3A_549 : vector<16xf32>
    %mul3A_553 = arith.constant -1.200000e+01 : f32
    %mul3A_554 = vector.broadcast %mul3A_553 : f32 to vector<16xf32>
    %mul3A_555 = arith.mulf %mul3A_554, %sub3A_552 : vector<16xf32>
    %exp3A_556 = math.exp %mul3A_555 : vector<16xf32>
    %add3A_557 = arith.constant 1.000000e+00 : f32
    %add3A_558 = vector.broadcast %add3A_557 : f32 to vector<16xf32>
    %add3A_559 = arith.addf %add3A_558, %exp3A_556 : vector<16xf32>
    %div3A_560 = arith.constant 1.000000e+00 : f32
    %div3A_561 = vector.broadcast %div3A_560 : f32 to vector<16xf32>
    %div3A_562 = arith.divf %div3A_561, %add3A_559 : vector<16xf32>
    %swap3A_563 = arith.constant 0 : i32
    %swap3A_564 = arith.index_cast %swap3A_563 : i32 to index
    %swap3A_565 = arith.constant 64 : index
    %swap3A_566 = tpu.vector_load %arg7[%swap3A_564, %swap3A_565] {strides = array<i32>} : memref<8x208xf32, #tpu.memory_space<vmem>>, vector<1x16xf32>,
    %swap3A_567 = vector.shape_cast %swap3A_566 : vector<1x16xf32> to vector<16xf32>
    %swap3A_568 = vector.shape_cast %div3A_562 : vector<16xf32> to vector<1x16xf32>
    tpu.vector_store %arg7[%swap3A_564, %swap3A_565], %swap3A_568 {strides = array<i32>} : memref<8x208xf32, #tpu.memory_space<vmem>>, vector<1x16xf32>,
    %swap3A_569 = arith.constant 1 : i32
    %swap3A_570 = arith.index_cast %swap3A_569 : i32 to index
    %swap3A_571 = arith.constant 64 : index
    %swap3A_572 = tpu.vector_load %arg7[%swap3A_570, %swap3A_571] {strides = array<i32>} : memref<8x208xf32, #tpu.memory_space<vmem>>, vector<1x16xf32>,
    %swap3A_573 = vector.shape_cast %swap3A_572 : vector<1x16xf32> to vector<16xf32>
    %swap3A_574 = vector.shape_cast %div3A_562 : vector<16xf32> to vector<1x16xf32>
    tpu.vector_store %arg7[%swap3A_570, %swap3A_571], %swap3A_574 {strides = array<i32>} : memref<8x208xf32, #tpu.memory_space<vmem>>, vector<1x16xf32>,
    %swap3A_575 = arith.constant 2 : i32
    %swap3A_576 = arith.index_cast %swap3A_575 : i32 to index
    %swap3A_577 = arith.constant 64 : index
    %swap3A_578 = tpu.vector_load %arg7[%swap3A_576, %swap3A_577] {strides = array<i32>} : memref<8x208xf32, #tpu.memory_space<vmem>>, vector<1x16xf32>,
    %swap3A_579 = vector.shape_cast %swap3A_578 : vector<1x16xf32> to vector<16xf32>
    %swap3A_580 = vector.shape_cast %div3A_562 : vector<16xf32> to vector<1x16xf32>
    tpu.vector_store %arg7[%swap3A_576, %swap3A_577], %swap3A_580 {strides = array<i32>} : memref<8x208xf32, #tpu.memory_space<vmem>>, vector<1x16xf32>,
    %swap3A_581 = arith.constant 3 : i32
    %swap3A_582 = arith.index_cast %swap3A_581 : i32 to index
    %swap3A_583 = arith.constant 64 : index
    %swap3A_584 = tpu.vector_load %arg7[%swap3A_582, %swap3A_583] {strides = array<i32>} : memref<8x208xf32, #tpu.memory_space<vmem>>, vector<1x16xf32>,
    %swap3A_585 = vector.shape_cast %swap3A_584 : vector<1x16xf32> to vector<16xf32>
    %swap3A_586 = vector.shape_cast %div3A_562 : vector<16xf32> to vector<1x16xf32>
    tpu.vector_store %arg7[%swap3A_582, %swap3A_583], %swap3A_586 {strides = array<i32>} : memref<8x208xf32, #tpu.memory_space<vmem>>, vector<1x16xf32>,
    %swap3A_587 = arith.constant 4 : i32
    %swap3A_588 = arith.index_cast %swap3A_587 : i32 to index
    %swap3A_589 = arith.constant 64 : index
    %swap3A_590 = tpu.vector_load %arg7[%swap3A_588, %swap3A_589] {strides = array<i32>} : memref<8x208xf32, #tpu.memory_space<vmem>>, vector<1x16xf32>,
    %swap3A_591 = vector.shape_cast %swap3A_590 : vector<1x16xf32> to vector<16xf32>
    %swap3A_592 = vector.shape_cast %div3A_562 : vector<16xf32> to vector<1x16xf32>
    tpu.vector_store %arg7[%swap3A_588, %swap3A_589], %swap3A_592 {strides = array<i32>} : memref<8x208xf32, #tpu.memory_space<vmem>>, vector<1x16xf32>,
    %swap3A_593 = arith.constant 5 : i32
    %swap3A_594 = arith.index_cast %swap3A_593 : i32 to index
    %swap3A_595 = arith.constant 64 : index
    %swap3A_596 = tpu.vector_load %arg7[%swap3A_594, %swap3A_595] {strides = array<i32>} : memref<8x208xf32, #tpu.memory_space<vmem>>, vector<1x16xf32>,
    %swap3A_597 = vector.shape_cast %swap3A_596 : vector<1x16xf32> to vector<16xf32>
    %swap3A_598 = vector.shape_cast %div3A_562 : vector<16xf32> to vector<1x16xf32>
    tpu.vector_store %arg7[%swap3A_594, %swap3A_595], %swap3A_598 {strides = array<i32>} : memref<8x208xf32, #tpu.memory_space<vmem>>, vector<1x16xf32>,
    %swap3A_599 = arith.constant 6 : i32
    %swap3A_600 = arith.index_cast %swap3A_599 : i32 to index
    %swap3A_601 = arith.constant 64 : index
    %swap3A_602 = tpu.vector_load %arg7[%swap3A_600, %swap3A_601] {strides = array<i32>} : memref<8x208xf32, #tpu.memory_space<vmem>>, vector<1x16xf32>,
    %swap3A_603 = vector.shape_cast %swap3A_602 : vector<1x16xf32> to vector<16xf32>
    %swap3A_604 = vector.shape_cast %div3A_562 : vector<16xf32> to vector<1x16xf32>
    tpu.vector_store %arg7[%swap3A_600, %swap3A_601], %swap3A_604 {strides = array<i32>} : memref<8x208xf32, #tpu.memory_space<vmem>>, vector<1x16xf32>,
    %swap3A_605 = arith.constant 7 : i32
    %swap3A_606 = arith.index_cast %swap3A_605 : i32 to index
    %swap3A_607 = arith.constant 64 : index
    %swap3A_608 = tpu.vector_load %arg7[%swap3A_606, %swap3A_607] {strides = array<i32>} : memref<8x208xf32, #tpu.memory_space<vmem>>, vector<1x16xf32>,
    %swap3A_609 = vector.shape_cast %swap3A_608 : vector<1x16xf32> to vector<16xf32>
    %swap3A_610 = vector.shape_cast %div3A_562 : vector<16xf32> to vector<1x16xf32>
    tpu.vector_store %arg7[%swap3A_606, %swap3A_607], %swap3A_610 {strides = array<i32>} : memref<8x208xf32, #tpu.memory_space<vmem>>, vector<1x16xf32>,
    %get3A_611 = arith.constant 80 : index
    %get3A_612 = tpu.vector_load %arg5[%get3A_611] {strides = array<i32>} : memref<208xf32, #tpu.memory_space<vmem>>, vector<16xf32>,
    %get3A_613 = vector.shape_cast %get3A_612 : vector<16xf32> to vector<16xf32>
    %get3A_614 = arith.constant 80 : index
    %get3A_615 = tpu.vector_load %arg6[%get3A_614] {strides = array<i32>} : memref<208xf32, #tpu.memory_space<vmem>>, vector<16xf32>,
    %get3A_616 = vector.shape_cast %get3A_615 : vector<16xf32> to vector<16xf32>
    %mul3A_617 = arith.mulf %select_n3A, %get3A_613 : vector<16xf32>
    %add3A_618 = arith.addf %mul3A_617, %select_n3A_275 : vector<16xf32>
    %sub3A_619 = arith.subf %add3A_618, %get3A_616 : vector<16xf32>
    %mul3A_620 = arith.constant -1.200000e+01 : f32
    %mul3A_621 = vector.broadcast %mul3A_620 : f32 to vector<16xf32>
    %mul3A_622 = arith.mulf %mul3A_621, %sub3A_619 : vector<16xf32>
    %exp3A_623 = math.exp %mul3A_622 : vector<16xf32>
    %add3A_624 = arith.constant 1.000000e+00 : f32
    %add3A_625 = vector.broadcast %add3A_624 : f32 to vector<16xf32>
    %add3A_626 = arith.addf %add3A_625, %exp3A_623 : vector<16xf32>
    %div3A_627 = arith.constant 1.000000e+00 : f32
    %div3A_628 = vector.broadcast %div3A_627 : f32 to vector<16xf32>
    %div3A_629 = arith.divf %div3A_628, %add3A_626 : vector<16xf32>
    %swap3A_630 = arith.constant 0 : i32
    %swap3A_631 = arith.index_cast %swap3A_630 : i32 to index
    %swap3A_632 = arith.constant 80 : index
    %swap3A_633 = tpu.vector_load %arg7[%swap3A_631, %swap3A_632] {strides = array<i32>} : memref<8x208xf32, #tpu.memory_space<vmem>>, vector<1x16xf32>,
    %swap3A_634 = vector.shape_cast %swap3A_633 : vector<1x16xf32> to vector<16xf32>
    %swap3A_635 = vector.shape_cast %div3A_629 : vector<16xf32> to vector<1x16xf32>
    tpu.vector_store %arg7[%swap3A_631, %swap3A_632], %swap3A_635 {strides = array<i32>} : memref<8x208xf32, #tpu.memory_space<vmem>>, vector<1x16xf32>,
    %swap3A_636 = arith.constant 1 : i32
    %swap3A_637 = arith.index_cast %swap3A_636 : i32 to index
    %swap3A_638 = arith.constant 80 : index
    %swap3A_639 = tpu.vector_load %arg7[%swap3A_637, %swap3A_638] {strides = array<i32>} : memref<8x208xf32, #tpu.memory_space<vmem>>, vector<1x16xf32>,
    %swap3A_640 = vector.shape_cast %swap3A_639 : vector<1x16xf32> to vector<16xf32>
    %swap3A_641 = vector.shape_cast %div3A_629 : vector<16xf32> to vector<1x16xf32>
    tpu.vector_store %arg7[%swap3A_637, %swap3A_638], %swap3A_641 {strides = array<i32>} : memref<8x208xf32, #tpu.memory_space<vmem>>, vector<1x16xf32>,
    %swap3A_642 = arith.constant 2 : i32
    %swap3A_643 = arith.index_cast %swap3A_642 : i32 to index
    %swap3A_644 = arith.constant 80 : index
    %swap3A_645 = tpu.vector_load %arg7[%swap3A_643, %swap3A_644] {strides = array<i32>} : memref<8x208xf32, #tpu.memory_space<vmem>>, vector<1x16xf32>,
    %swap3A_646 = vector.shape_cast %swap3A_645 : vector<1x16xf32> to vector<16xf32>
    %swap3A_647 = vector.shape_cast %div3A_629 : vector<16xf32> to vector<1x16xf32>
    tpu.vector_store %arg7[%swap3A_643, %swap3A_644], %swap3A_647 {strides = array<i32>} : memref<8x208xf32, #tpu.memory_space<vmem>>, vector<1x16xf32>,
    %swap3A_648 = arith.constant 3 : i32
    %swap3A_649 = arith.index_cast %swap3A_648 : i32 to index
    %swap3A_650 = arith.constant 80 : index
    %swap3A_651 = tpu.vector_load %arg7[%swap3A_649, %swap3A_650] {strides = array<i32>} : memref<8x208xf32, #tpu.memory_space<vmem>>, vector<1x16xf32>,
    %swap3A_652 = vector.shape_cast %swap3A_651 : vector<1x16xf32> to vector<16xf32>
    %swap3A_653 = vector.shape_cast %div3A_629 : vector<16xf32> to vector<1x16xf32>
    tpu.vector_store %arg7[%swap3A_649, %swap3A_650], %swap3A_653 {strides = array<i32>} : memref<8x208xf32, #tpu.memory_space<vmem>>, vector<1x16xf32>,
    %swap3A_654 = arith.constant 4 : i32
    %swap3A_655 = arith.index_cast %swap3A_654 : i32 to index
    %swap3A_656 = arith.constant 80 : index
    %swap3A_657 = tpu.vector_load %arg7[%swap3A_655, %swap3A_656] {strides = array<i32>} : memref<8x208xf32, #tpu.memory_space<vmem>>, vector<1x16xf32>,
    %swap3A_658 = vector.shape_cast %swap3A_657 : vector<1x16xf32> to vector<16xf32>
    %swap3A_659 = vector.shape_cast %div3A_629 : vector<16xf32> to vector<1x16xf32>
    tpu.vector_store %arg7[%swap3A_655, %swap3A_656], %swap3A_659 {strides = array<i32>} : memref<8x208xf32, #tpu.memory_space<vmem>>, vector<1x16xf32>,
    %swap3A_660 = arith.constant 5 : i32
    %swap3A_661 = arith.index_cast %swap3A_660 : i32 to index
    %swap3A_662 = arith.constant 80 : index
    %swap3A_663 = tpu.vector_load %arg7[%swap3A_661, %swap3A_662] {strides = array<i32>} : memref<8x208xf32, #tpu.memory_space<vmem>>, vector<1x16xf32>,
    %swap3A_664 = vector.shape_cast %swap3A_663 : vector<1x16xf32> to vector<16xf32>
    %swap3A_665 = vector.shape_cast %div3A_629 : vector<16xf32> to vector<1x16xf32>
    tpu.vector_store %arg7[%swap3A_661, %swap3A_662], %swap3A_665 {strides = array<i32>} : memref<8x208xf32, #tpu.memory_space<vmem>>, vector<1x16xf32>,
    %swap3A_666 = arith.constant 6 : i32
    %swap3A_667 = arith.index_cast %swap3A_666 : i32 to index
    %swap3A_668 = arith.constant 80 : index
    %swap3A_669 = tpu.vector_load %arg7[%swap3A_667, %swap3A_668] {strides = array<i32>} : memref<8x208xf32, #tpu.memory_space<vmem>>, vector<1x16xf32>,
    %swap3A_670 = vector.shape_cast %swap3A_669 : vector<1x16xf32> to vector<16xf32>
    %swap3A_671 = vector.shape_cast %div3A_629 : vector<16xf32> to vector<1x16xf32>
    tpu.vector_store %arg7[%swap3A_667, %swap3A_668], %swap3A_671 {strides = array<i32>} : memref<8x208xf32, #tpu.memory_space<vmem>>, vector<1x16xf32>,
    %swap3A_672 = arith.constant 7 : i32
    %swap3A_673 = arith.index_cast %swap3A_672 : i32 to index
    %swap3A_674 = arith.constant 80 : index
    %swap3A_675 = tpu.vector_load %arg7[%swap3A_673, %swap3A_674] {strides = array<i32>} : memref<8x208xf32, #tpu.memory_space<vmem>>, vector<1x16xf32>,
    %swap3A_676 = vector.shape_cast %swap3A_675 : vector<1x16xf32> to vector<16xf32>
    %swap3A_677 = vector.shape_cast %div3A_629 : vector<16xf32> to vector<1x16xf32>
    tpu.vector_store %arg7[%swap3A_673, %swap3A_674], %swap3A_677 {strides = array<i32>} : memref<8x208xf32, #tpu.memory_space<vmem>>, vector<1x16xf32>,
    %get3A_678 = arith.constant 96 : index
    %get3A_679 = tpu.vector_load %arg5[%get3A_678] {strides = array<i32>} : memref<208xf32, #tpu.memory_space<vmem>>, vector<16xf32>,
    %get3A_680 = vector.shape_cast %get3A_679 : vector<16xf32> to vector<16xf32>
    %get3A_681 = arith.constant 96 : index
    %get3A_682 = tpu.vector_load %arg6[%get3A_681] {strides = array<i32>} : memref<208xf32, #tpu.memory_space<vmem>>, vector<16xf32>,
    %get3A_683 = vector.shape_cast %get3A_682 : vector<16xf32> to vector<16xf32>
    %mul3A_684 = arith.mulf %select_n3A, %get3A_680 : vector<16xf32>
    %add3A_685 = arith.addf %mul3A_684, %select_n3A_275 : vector<16xf32>
    %sub3A_686 = arith.subf %add3A_685, %get3A_683 : vector<16xf32>
    %mul3A_687 = arith.constant -1.200000e+01 : f32
    %mul3A_688 = vector.broadcast %mul3A_687 : f32 to vector<16xf32>
    %mul3A_689 = arith.mulf %mul3A_688, %sub3A_686 : vector<16xf32>
    %exp3A_690 = math.exp %mul3A_689 : vector<16xf32>
    %add3A_691 = arith.constant 1.000000e+00 : f32
    %add3A_692 = vector.broadcast %add3A_691 : f32 to vector<16xf32>
    %add3A_693 = arith.addf %add3A_692, %exp3A_690 : vector<16xf32>
    %div3A_694 = arith.constant 1.000000e+00 : f32
    %div3A_695 = vector.broadcast %div3A_694 : f32 to vector<16xf32>
    %div3A_696 = arith.divf %div3A_695, %add3A_693 : vector<16xf32>
    %swap3A_697 = arith.constant 0 : i32
    %swap3A_698 = arith.index_cast %swap3A_697 : i32 to index
    %swap3A_699 = arith.constant 96 : index
    %swap3A_700 = tpu.vector_load %arg7[%swap3A_698, %swap3A_699] {strides = array<i32>} : memref<8x208xf32, #tpu.memory_space<vmem>>, vector<1x16xf32>,
    %swap3A_701 = vector.shape_cast %swap3A_700 : vector<1x16xf32> to vector<16xf32>
    %swap3A_702 = vector.shape_cast %div3A_696 : vector<16xf32> to vector<1x16xf32>
    tpu.vector_store %arg7[%swap3A_698, %swap3A_699], %swap3A_702 {strides = array<i32>} : memref<8x208xf32, #tpu.memory_space<vmem>>, vector<1x16xf32>,
    %swap3A_703 = arith.constant 1 : i32
    %swap3A_704 = arith.index_cast %swap3A_703 : i32 to index
    %swap3A_705 = arith.constant 96 : index
    %swap3A_706 = tpu.vector_load %arg7[%swap3A_704, %swap3A_705] {strides = array<i32>} : memref<8x208xf32, #tpu.memory_space<vmem>>, vector<1x16xf32>,
    %swap3A_707 = vector.shape_cast %swap3A_706 : vector<1x16xf32> to vector<16xf32>
    %swap3A_708 = vector.shape_cast %div3A_696 : vector<16xf32> to vector<1x16xf32>
    tpu.vector_store %arg7[%swap3A_704, %swap3A_705], %swap3A_708 {strides = array<i32>} : memref<8x208xf32, #tpu.memory_space<vmem>>, vector<1x16xf32>,
    %swap3A_709 = arith.constant 2 : i32
    %swap3A_710 = arith.index_cast %swap3A_709 : i32 to index
    %swap3A_711 = arith.constant 96 : index
    %swap3A_712 = tpu.vector_load %arg7[%swap3A_710, %swap3A_711] {strides = array<i32>} : memref<8x208xf32, #tpu.memory_space<vmem>>, vector<1x16xf32>,
    %swap3A_713 = vector.shape_cast %swap3A_712 : vector<1x16xf32> to vector<16xf32>
    %swap3A_714 = vector.shape_cast %div3A_696 : vector<16xf32> to vector<1x16xf32>
    tpu.vector_store %arg7[%swap3A_710, %swap3A_711], %swap3A_714 {strides = array<i32>} : memref<8x208xf32, #tpu.memory_space<vmem>>, vector<1x16xf32>,
    %swap3A_715 = arith.constant 3 : i32
    %swap3A_716 = arith.index_cast %swap3A_715 : i32 to index
    %swap3A_717 = arith.constant 96 : index
    %swap3A_718 = tpu.vector_load %arg7[%swap3A_716, %swap3A_717] {strides = array<i32>} : memref<8x208xf32, #tpu.memory_space<vmem>>, vector<1x16xf32>,
    %swap3A_719 = vector.shape_cast %swap3A_718 : vector<1x16xf32> to vector<16xf32>
    %swap3A_720 = vector.shape_cast %div3A_696 : vector<16xf32> to vector<1x16xf32>
    tpu.vector_store %arg7[%swap3A_716, %swap3A_717], %swap3A_720 {strides = array<i32>} : memref<8x208xf32, #tpu.memory_space<vmem>>, vector<1x16xf32>,
    %swap3A_721 = arith.constant 4 : i32
    %swap3A_722 = arith.index_cast %swap3A_721 : i32 to index
    %swap3A_723 = arith.constant 96 : index
    %swap3A_724 = tpu.vector_load %arg7[%swap3A_722, %swap3A_723] {strides = array<i32>} : memref<8x208xf32, #tpu.memory_space<vmem>>, vector<1x16xf32>,
    %swap3A_725 = vector.shape_cast %swap3A_724 : vector<1x16xf32> to vector<16xf32>
    %swap3A_726 = vector.shape_cast %div3A_696 : vector<16xf32> to vector<1x16xf32>
    tpu.vector_store %arg7[%swap3A_722, %swap3A_723], %swap3A_726 {strides = array<i32>} : memref<8x208xf32, #tpu.memory_space<vmem>>, vector<1x16xf32>,
    %swap3A_727 = arith.constant 5 : i32
    %swap3A_728 = arith.index_cast %swap3A_727 : i32 to index
    %swap3A_729 = arith.constant 96 : index
    %swap3A_730 = tpu.vector_load %arg7[%swap3A_728, %swap3A_729] {strides = array<i32>} : memref<8x208xf32, #tpu.memory_space<vmem>>, vector<1x16xf32>,
    %swap3A_731 = vector.shape_cast %swap3A_730 : vector<1x16xf32> to vector<16xf32>
    %swap3A_732 = vector.shape_cast %div3A_696 : vector<16xf32> to vector<1x16xf32>
    tpu.vector_store %arg7[%swap3A_728, %swap3A_729], %swap3A_732 {strides = array<i32>} : memref<8x208xf32, #tpu.memory_space<vmem>>, vector<1x16xf32>,
    %swap3A_733 = arith.constant 6 : i32
    %swap3A_734 = arith.index_cast %swap3A_733 : i32 to index
    %swap3A_735 = arith.constant 96 : index
    %swap3A_736 = tpu.vector_load %arg7[%swap3A_734, %swap3A_735] {strides = array<i32>} : memref<8x208xf32, #tpu.memory_space<vmem>>, vector<1x16xf32>,
    %swap3A_737 = vector.shape_cast %swap3A_736 : vector<1x16xf32> to vector<16xf32>
    %swap3A_738 = vector.shape_cast %div3A_696 : vector<16xf32> to vector<1x16xf32>
    tpu.vector_store %arg7[%swap3A_734, %swap3A_735], %swap3A_738 {strides = array<i32>} : memref<8x208xf32, #tpu.memory_space<vmem>>, vector<1x16xf32>,
    %swap3A_739 = arith.constant 7 : i32
    %swap3A_740 = arith.index_cast %swap3A_739 : i32 to index
    %swap3A_741 = arith.constant 96 : index
    %swap3A_742 = tpu.vector_load %arg7[%swap3A_740, %swap3A_741] {strides = array<i32>} : memref<8x208xf32, #tpu.memory_space<vmem>>, vector<1x16xf32>,
    %swap3A_743 = vector.shape_cast %swap3A_742 : vector<1x16xf32> to vector<16xf32>
    %swap3A_744 = vector.shape_cast %div3A_696 : vector<16xf32> to vector<1x16xf32>
    tpu.vector_store %arg7[%swap3A_740, %swap3A_741], %swap3A_744 {strides = array<i32>} : memref<8x208xf32, #tpu.memory_space<vmem>>, vector<1x16xf32>,
    %get3A_745 = arith.constant 112 : index
    %get3A_746 = tpu.vector_load %arg5[%get3A_745] {strides = array<i32>} : memref<208xf32, #tpu.memory_space<vmem>>, vector<16xf32>,
    %get3A_747 = vector.shape_cast %get3A_746 : vector<16xf32> to vector<16xf32>
    %get3A_748 = arith.constant 112 : index
    %get3A_749 = tpu.vector_load %arg6[%get3A_748] {strides = array<i32>} : memref<208xf32, #tpu.memory_space<vmem>>, vector<16xf32>,
    %get3A_750 = vector.shape_cast %get3A_749 : vector<16xf32> to vector<16xf32>
    %mul3A_751 = arith.mulf %select_n3A, %get3A_747 : vector<16xf32>
    %add3A_752 = arith.addf %mul3A_751, %select_n3A_275 : vector<16xf32>
    %sub3A_753 = arith.subf %add3A_752, %get3A_750 : vector<16xf32>
    %mul3A_754 = arith.constant -1.200000e+01 : f32
    %mul3A_755 = vector.broadcast %mul3A_754 : f32 to vector<16xf32>
    %mul3A_756 = arith.mulf %mul3A_755, %sub3A_753 : vector<16xf32>
    %exp3A_757 = math.exp %mul3A_756 : vector<16xf32>
    %add3A_758 = arith.constant 1.000000e+00 : f32
    %add3A_759 = vector.broadcast %add3A_758 : f32 to vector<16xf32>
    %add3A_760 = arith.addf %add3A_759, %exp3A_757 : vector<16xf32>
    %div3A_761 = arith.constant 1.000000e+00 : f32
    %div3A_762 = vector.broadcast %div3A_761 : f32 to vector<16xf32>
    %div3A_763 = arith.divf %div3A_762, %add3A_760 : vector<16xf32>
    %swap3A_764 = arith.constant 0 : i32
    %swap3A_765 = arith.index_cast %swap3A_764 : i32 to index
    %swap3A_766 = arith.constant 112 : index
    %swap3A_767 = tpu.vector_load %arg7[%swap3A_765, %swap3A_766] {strides = array<i32>} : memref<8x208xf32, #tpu.memory_space<vmem>>, vector<1x16xf32>,
    %swap3A_768 = vector.shape_cast %swap3A_767 : vector<1x16xf32> to vector<16xf32>
    %swap3A_769 = vector.shape_cast %div3A_763 : vector<16xf32> to vector<1x16xf32>
    tpu.vector_store %arg7[%swap3A_765, %swap3A_766], %swap3A_769 {strides = array<i32>} : memref<8x208xf32, #tpu.memory_space<vmem>>, vector<1x16xf32>,
    %swap3A_770 = arith.constant 1 : i32
    %swap3A_771 = arith.index_cast %swap3A_770 : i32 to index
    %swap3A_772 = arith.constant 112 : index
    %swap3A_773 = tpu.vector_load %arg7[%swap3A_771, %swap3A_772] {strides = array<i32>} : memref<8x208xf32, #tpu.memory_space<vmem>>, vector<1x16xf32>,
    %swap3A_774 = vector.shape_cast %swap3A_773 : vector<1x16xf32> to vector<16xf32>
    %swap3A_775 = vector.shape_cast %div3A_763 : vector<16xf32> to vector<1x16xf32>
    tpu.vector_store %arg7[%swap3A_771, %swap3A_772], %swap3A_775 {strides = array<i32>} : memref<8x208xf32, #tpu.memory_space<vmem>>, vector<1x16xf32>,
    %swap3A_776 = arith.constant 2 : i32
    %swap3A_777 = arith.index_cast %swap3A_776 : i32 to index
    %swap3A_778 = arith.constant 112 : index
    %swap3A_779 = tpu.vector_load %arg7[%swap3A_777, %swap3A_778] {strides = array<i32>} : memref<8x208xf32, #tpu.memory_space<vmem>>, vector<1x16xf32>,
    %swap3A_780 = vector.shape_cast %swap3A_779 : vector<1x16xf32> to vector<16xf32>
    %swap3A_781 = vector.shape_cast %div3A_763 : vector<16xf32> to vector<1x16xf32>
    tpu.vector_store %arg7[%swap3A_777, %swap3A_778], %swap3A_781 {strides = array<i32>} : memref<8x208xf32, #tpu.memory_space<vmem>>, vector<1x16xf32>,
    %swap3A_782 = arith.constant 3 : i32
    %swap3A_783 = arith.index_cast %swap3A_782 : i32 to index
    %swap3A_784 = arith.constant 112 : index
    %swap3A_785 = tpu.vector_load %arg7[%swap3A_783, %swap3A_784] {strides = array<i32>} : memref<8x208xf32, #tpu.memory_space<vmem>>, vector<1x16xf32>,
    %swap3A_786 = vector.shape_cast %swap3A_785 : vector<1x16xf32> to vector<16xf32>
    %swap3A_787 = vector.shape_cast %div3A_763 : vector<16xf32> to vector<1x16xf32>
    tpu.vector_store %arg7[%swap3A_783, %swap3A_784], %swap3A_787 {strides = array<i32>} : memref<8x208xf32, #tpu.memory_space<vmem>>, vector<1x16xf32>,
    %swap3A_788 = arith.constant 4 : i32
    %swap3A_789 = arith.index_cast %swap3A_788 : i32 to index
    %swap3A_790 = arith.constant 112 : index
    %swap3A_791 = tpu.vector_load %arg7[%swap3A_789, %swap3A_790] {strides = array<i32>} : memref<8x208xf32, #tpu.memory_space<vmem>>, vector<1x16xf32>,
    %swap3A_792 = vector.shape_cast %swap3A_791 : vector<1x16xf32> to vector<16xf32>
    %swap3A_793 = vector.shape_cast %div3A_763 : vector<16xf32> to vector<1x16xf32>
    tpu.vector_store %arg7[%swap3A_789, %swap3A_790], %swap3A_793 {strides = array<i32>} : memref<8x208xf32, #tpu.memory_space<vmem>>, vector<1x16xf32>,
    %swap3A_794 = arith.constant 5 : i32
    %swap3A_795 = arith.index_cast %swap3A_794 : i32 to index
    %swap3A_796 = arith.constant 112 : index
    %swap3A_797 = tpu.vector_load %arg7[%swap3A_795, %swap3A_796] {strides = array<i32>} : memref<8x208xf32, #tpu.memory_space<vmem>>, vector<1x16xf32>,
    %swap3A_798 = vector.shape_cast %swap3A_797 : vector<1x16xf32> to vector<16xf32>
    %swap3A_799 = vector.shape_cast %div3A_763 : vector<16xf32> to vector<1x16xf32>
    tpu.vector_store %arg7[%swap3A_795, %swap3A_796], %swap3A_799 {strides = array<i32>} : memref<8x208xf32, #tpu.memory_space<vmem>>, vector<1x16xf32>,
    %swap3A_800 = arith.constant 6 : i32
    %swap3A_801 = arith.index_cast %swap3A_800 : i32 to index
    %swap3A_802 = arith.constant 112 : index
    %swap3A_803 = tpu.vector_load %arg7[%swap3A_801, %swap3A_802] {strides = array<i32>} : memref<8x208xf32, #tpu.memory_space<vmem>>, vector<1x16xf32>,
    %swap3A_804 = vector.shape_cast %swap3A_803 : vector<1x16xf32> to vector<16xf32>
    %swap3A_805 = vector.shape_cast %div3A_763 : vector<16xf32> to vector<1x16xf32>
    tpu.vector_store %arg7[%swap3A_801, %swap3A_802], %swap3A_805 {strides = array<i32>} : memref<8x208xf32, #tpu.memory_space<vmem>>, vector<1x16xf32>,
    %swap3A_806 = arith.constant 7 : i32
    %swap3A_807 = arith.index_cast %swap3A_806 : i32 to index
    %swap3A_808 = arith.constant 112 : index
    %swap3A_809 = tpu.vector_load %arg7[%swap3A_807, %swap3A_808] {strides = array<i32>} : memref<8x208xf32, #tpu.memory_space<vmem>>, vector<1x16xf32>,
    %swap3A_810 = vector.shape_cast %swap3A_809 : vector<1x16xf32> to vector<16xf32>
    %swap3A_811 = vector.shape_cast %div3A_763 : vector<16xf32> to vector<1x16xf32>
    tpu.vector_store %arg7[%swap3A_807, %swap3A_808], %swap3A_811 {strides = array<i32>} : memref<8x208xf32, #tpu.memory_space<vmem>>, vector<1x16xf32>,
    %get3A_812 = arith.constant 128 : index
    %get3A_813 = tpu.vector_load %arg5[%get3A_812] {strides = array<i32>} : memref<208xf32, #tpu.memory_space<vmem>>, vector<16xf32>,
    %get3A_814 = vector.shape_cast %get3A_813 : vector<16xf32> to vector<16xf32>
    %get3A_815 = arith.constant 128 : index
    %get3A_816 = tpu.vector_load %arg6[%get3A_815] {strides = array<i32>} : memref<208xf32, #tpu.memory_space<vmem>>, vector<16xf32>,
    %get3A_817 = vector.shape_cast %get3A_816 : vector<16xf32> to vector<16xf32>
    %mul3A_818 = arith.mulf %select_n3A, %get3A_814 : vector<16xf32>
    %add3A_819 = arith.addf %mul3A_818, %select_n3A_275 : vector<16xf32>
    %sub3A_820 = arith.subf %add3A_819, %get3A_817 : vector<16xf32>
    %mul3A_821 = arith.constant -1.200000e+01 : f32
    %mul3A_822 = vector.broadcast %mul3A_821 : f32 to vector<16xf32>
    %mul3A_823 = arith.mulf %mul3A_822, %sub3A_820 : vector<16xf32>
    %exp3A_824 = math.exp %mul3A_823 : vector<16xf32>
    %add3A_825 = arith.constant 1.000000e+00 : f32
    %add3A_826 = vector.broadcast %add3A_825 : f32 to vector<16xf32>
    %add3A_827 = arith.addf %add3A_826, %exp3A_824 : vector<16xf32>
    %div3A_828 = arith.constant 1.000000e+00 : f32
    %div3A_829 = vector.broadcast %div3A_828 : f32 to vector<16xf32>
    %div3A_830 = arith.divf %div3A_829, %add3A_827 : vector<16xf32>
    %swap3A_831 = arith.constant 0 : i32
    %swap3A_832 = arith.index_cast %swap3A_831 : i32 to index
    %swap3A_833 = arith.constant 128 : index
    %swap3A_834 = tpu.vector_load %arg7[%swap3A_832, %swap3A_833] {strides = array<i32>} : memref<8x208xf32, #tpu.memory_space<vmem>>, vector<1x16xf32>,
    %swap3A_835 = vector.shape_cast %swap3A_834 : vector<1x16xf32> to vector<16xf32>
    %swap3A_836 = vector.shape_cast %div3A_830 : vector<16xf32> to vector<1x16xf32>
    tpu.vector_store %arg7[%swap3A_832, %swap3A_833], %swap3A_836 {strides = array<i32>} : memref<8x208xf32, #tpu.memory_space<vmem>>, vector<1x16xf32>,
    %swap3A_837 = arith.constant 1 : i32
    %swap3A_838 = arith.index_cast %swap3A_837 : i32 to index
    %swap3A_839 = arith.constant 128 : index
    %swap3A_840 = tpu.vector_load %arg7[%swap3A_838, %swap3A_839] {strides = array<i32>} : memref<8x208xf32, #tpu.memory_space<vmem>>, vector<1x16xf32>,
    %swap3A_841 = vector.shape_cast %swap3A_840 : vector<1x16xf32> to vector<16xf32>
    %swap3A_842 = vector.shape_cast %div3A_830 : vector<16xf32> to vector<1x16xf32>
    tpu.vector_store %arg7[%swap3A_838, %swap3A_839], %swap3A_842 {strides = array<i32>} : memref<8x208xf32, #tpu.memory_space<vmem>>, vector<1x16xf32>,
    %swap3A_843 = arith.constant 2 : i32
    %swap3A_844 = arith.index_cast %swap3A_843 : i32 to index
    %swap3A_845 = arith.constant 128 : index
    %swap3A_846 = tpu.vector_load %arg7[%swap3A_844, %swap3A_845] {strides = array<i32>} : memref<8x208xf32, #tpu.memory_space<vmem>>, vector<1x16xf32>,
    %swap3A_847 = vector.shape_cast %swap3A_846 : vector<1x16xf32> to vector<16xf32>
    %swap3A_848 = vector.shape_cast %div3A_830 : vector<16xf32> to vector<1x16xf32>
    tpu.vector_store %arg7[%swap3A_844, %swap3A_845], %swap3A_848 {strides = array<i32>} : memref<8x208xf32, #tpu.memory_space<vmem>>, vector<1x16xf32>,
    %swap3A_849 = arith.constant 3 : i32
    %swap3A_850 = arith.index_cast %swap3A_849 : i32 to index
    %swap3A_851 = arith.constant 128 : index
    %swap3A_852 = tpu.vector_load %arg7[%swap3A_850, %swap3A_851] {strides = array<i32>} : memref<8x208xf32, #tpu.memory_space<vmem>>, vector<1x16xf32>,
    %swap3A_853 = vector.shape_cast %swap3A_852 : vector<1x16xf32> to vector<16xf32>
    %swap3A_854 = vector.shape_cast %div3A_830 : vector<16xf32> to vector<1x16xf32>
    tpu.vector_store %arg7[%swap3A_850, %swap3A_851], %swap3A_854 {strides = array<i32>} : memref<8x208xf32, #tpu.memory_space<vmem>>, vector<1x16xf32>,
    %swap3A_855 = arith.constant 4 : i32
    %swap3A_856 = arith.index_cast %swap3A_855 : i32 to index
    %swap3A_857 = arith.constant 128 : index
    %swap3A_858 = tpu.vector_load %arg7[%swap3A_856, %swap3A_857] {strides = array<i32>} : memref<8x208xf32, #tpu.memory_space<vmem>>, vector<1x16xf32>,
    %swap3A_859 = vector.shape_cast %swap3A_858 : vector<1x16xf32> to vector<16xf32>
    %swap3A_860 = vector.shape_cast %div3A_830 : vector<16xf32> to vector<1x16xf32>
    tpu.vector_store %arg7[%swap3A_856, %swap3A_857], %swap3A_860 {strides = array<i32>} : memref<8x208xf32, #tpu.memory_space<vmem>>, vector<1x16xf32>,
    %swap3A_861 = arith.constant 5 : i32
    %swap3A_862 = arith.index_cast %swap3A_861 : i32 to index
    %swap3A_863 = arith.constant 128 : index
    %swap3A_864 = tpu.vector_load %arg7[%swap3A_862, %swap3A_863] {strides = array<i32>} : memref<8x208xf32, #tpu.memory_space<vmem>>, vector<1x16xf32>,
    %swap3A_865 = vector.shape_cast %swap3A_864 : vector<1x16xf32> to vector<16xf32>
    %swap3A_866 = vector.shape_cast %div3A_830 : vector<16xf32> to vector<1x16xf32>
    tpu.vector_store %arg7[%swap3A_862, %swap3A_863], %swap3A_866 {strides = array<i32>} : memref<8x208xf32, #tpu.memory_space<vmem>>, vector<1x16xf32>,
    %swap3A_867 = arith.constant 6 : i32
    %swap3A_868 = arith.index_cast %swap3A_867 : i32 to index
    %swap3A_869 = arith.constant 128 : index
    %swap3A_870 = tpu.vector_load %arg7[%swap3A_868, %swap3A_869] {strides = array<i32>} : memref<8x208xf32, #tpu.memory_space<vmem>>, vector<1x16xf32>,
    %swap3A_871 = vector.shape_cast %swap3A_870 : vector<1x16xf32> to vector<16xf32>
    %swap3A_872 = vector.shape_cast %div3A_830 : vector<16xf32> to vector<1x16xf32>
    tpu.vector_store %arg7[%swap3A_868, %swap3A_869], %swap3A_872 {strides = array<i32>} : memref<8x208xf32, #tpu.memory_space<vmem>>, vector<1x16xf32>,
    %swap3A_873 = arith.constant 7 : i32
    %swap3A_874 = arith.index_cast %swap3A_873 : i32 to index
    %swap3A_875 = arith.constant 128 : index
    %swap3A_876 = tpu.vector_load %arg7[%swap3A_874, %swap3A_875] {strides = array<i32>} : memref<8x208xf32, #tpu.memory_space<vmem>>, vector<1x16xf32>,
    %swap3A_877 = vector.shape_cast %swap3A_876 : vector<1x16xf32> to vector<16xf32>
    %swap3A_878 = vector.shape_cast %div3A_830 : vector<16xf32> to vector<1x16xf32>
    tpu.vector_store %arg7[%swap3A_874, %swap3A_875], %swap3A_878 {strides = array<i32>} : memref<8x208xf32, #tpu.memory_space<vmem>>, vector<1x16xf32>,
    %get3A_879 = arith.constant 144 : index
    %get3A_880 = tpu.vector_load %arg5[%get3A_879] {strides = array<i32>} : memref<208xf32, #tpu.memory_space<vmem>>, vector<16xf32>,
    %get3A_881 = vector.shape_cast %get3A_880 : vector<16xf32> to vector<16xf32>
    %get3A_882 = arith.constant 144 : index
    %get3A_883 = tpu.vector_load %arg6[%get3A_882] {strides = array<i32>} : memref<208xf32, #tpu.memory_space<vmem>>, vector<16xf32>,
    %get3A_884 = vector.shape_cast %get3A_883 : vector<16xf32> to vector<16xf32>
    %mul3A_885 = arith.mulf %select_n3A, %get3A_881 : vector<16xf32>
    %add3A_886 = arith.addf %mul3A_885, %select_n3A_275 : vector<16xf32>
    %sub3A_887 = arith.subf %add3A_886, %get3A_884 : vector<16xf32>
    %mul3A_888 = arith.constant -1.200000e+01 : f32
    %mul3A_889 = vector.broadcast %mul3A_888 : f32 to vector<16xf32>
    %mul3A_890 = arith.mulf %mul3A_889, %sub3A_887 : vector<16xf32>
    %exp3A_891 = math.exp %mul3A_890 : vector<16xf32>
    %add3A_892 = arith.constant 1.000000e+00 : f32
    %add3A_893 = vector.broadcast %add3A_892 : f32 to vector<16xf32>
    %add3A_894 = arith.addf %add3A_893, %exp3A_891 : vector<16xf32>
    %div3A_895 = arith.constant 1.000000e+00 : f32
    %div3A_896 = vector.broadcast %div3A_895 : f32 to vector<16xf32>
    %div3A_897 = arith.divf %div3A_896, %add3A_894 : vector<16xf32>
    %swap3A_898 = arith.constant 0 : i32
    %swap3A_899 = arith.index_cast %swap3A_898 : i32 to index
    %swap3A_900 = arith.constant 144 : index
    %swap3A_901 = tpu.vector_load %arg7[%swap3A_899, %swap3A_900] {strides = array<i32>} : memref<8x208xf32, #tpu.memory_space<vmem>>, vector<1x16xf32>,
    %swap3A_902 = vector.shape_cast %swap3A_901 : vector<1x16xf32> to vector<16xf32>
    %swap3A_903 = vector.shape_cast %div3A_897 : vector<16xf32> to vector<1x16xf32>
    tpu.vector_store %arg7[%swap3A_899, %swap3A_900], %swap3A_903 {strides = array<i32>} : memref<8x208xf32, #tpu.memory_space<vmem>>, vector<1x16xf32>,
    %swap3A_904 = arith.constant 1 : i32
    %swap3A_905 = arith.index_cast %swap3A_904 : i32 to index
    %swap3A_906 = arith.constant 144 : index
    %swap3A_907 = tpu.vector_load %arg7[%swap3A_905, %swap3A_906] {strides = array<i32>} : memref<8x208xf32, #tpu.memory_space<vmem>>, vector<1x16xf32>,
    %swap3A_908 = vector.shape_cast %swap3A_907 : vector<1x16xf32> to vector<16xf32>
    %swap3A_909 = vector.shape_cast %div3A_897 : vector<16xf32> to vector<1x16xf32>
    tpu.vector_store %arg7[%swap3A_905, %swap3A_906], %swap3A_909 {strides = array<i32>} : memref<8x208xf32, #tpu.memory_space<vmem>>, vector<1x16xf32>,
    %swap3A_910 = arith.constant 2 : i32
    %swap3A_911 = arith.index_cast %swap3A_910 : i32 to index
    %swap3A_912 = arith.constant 144 : index
    %swap3A_913 = tpu.vector_load %arg7[%swap3A_911, %swap3A_912] {strides = array<i32>} : memref<8x208xf32, #tpu.memory_space<vmem>>, vector<1x16xf32>,
    %swap3A_914 = vector.shape_cast %swap3A_913 : vector<1x16xf32> to vector<16xf32>
    %swap3A_915 = vector.shape_cast %div3A_897 : vector<16xf32> to vector<1x16xf32>
    tpu.vector_store %arg7[%swap3A_911, %swap3A_912], %swap3A_915 {strides = array<i32>} : memref<8x208xf32, #tpu.memory_space<vmem>>, vector<1x16xf32>,
    %swap3A_916 = arith.constant 3 : i32
    %swap3A_917 = arith.index_cast %swap3A_916 : i32 to index
    %swap3A_918 = arith.constant 144 : index
    %swap3A_919 = tpu.vector_load %arg7[%swap3A_917, %swap3A_918] {strides = array<i32>} : memref<8x208xf32, #tpu.memory_space<vmem>>, vector<1x16xf32>,
    %swap3A_920 = vector.shape_cast %swap3A_919 : vector<1x16xf32> to vector<16xf32>
    %swap3A_921 = vector.shape_cast %div3A_897 : vector<16xf32> to vector<1x16xf32>
    tpu.vector_store %arg7[%swap3A_917, %swap3A_918], %swap3A_921 {strides = array<i32>} : memref<8x208xf32, #tpu.memory_space<vmem>>, vector<1x16xf32>,
    %swap3A_922 = arith.constant 4 : i32
    %swap3A_923 = arith.index_cast %swap3A_922 : i32 to index
    %swap3A_924 = arith.constant 144 : index
    %swap3A_925 = tpu.vector_load %arg7[%swap3A_923, %swap3A_924] {strides = array<i32>} : memref<8x208xf32, #tpu.memory_space<vmem>>, vector<1x16xf32>,
    %swap3A_926 = vector.shape_cast %swap3A_925 : vector<1x16xf32> to vector<16xf32>
    %swap3A_927 = vector.shape_cast %div3A_897 : vector<16xf32> to vector<1x16xf32>
    tpu.vector_store %arg7[%swap3A_923, %swap3A_924], %swap3A_927 {strides = array<i32>} : memref<8x208xf32, #tpu.memory_space<vmem>>, vector<1x16xf32>,
    %swap3A_928 = arith.constant 5 : i32
    %swap3A_929 = arith.index_cast %swap3A_928 : i32 to index
    %swap3A_930 = arith.constant 144 : index
    %swap3A_931 = tpu.vector_load %arg7[%swap3A_929, %swap3A_930] {strides = array<i32>} : memref<8x208xf32, #tpu.memory_space<vmem>>, vector<1x16xf32>,
    %swap3A_932 = vector.shape_cast %swap3A_931 : vector<1x16xf32> to vector<16xf32>
    %swap3A_933 = vector.shape_cast %div3A_897 : vector<16xf32> to vector<1x16xf32>
    tpu.vector_store %arg7[%swap3A_929, %swap3A_930], %swap3A_933 {strides = array<i32>} : memref<8x208xf32, #tpu.memory_space<vmem>>, vector<1x16xf32>,
    %swap3A_934 = arith.constant 6 : i32
    %swap3A_935 = arith.index_cast %swap3A_934 : i32 to index
    %swap3A_936 = arith.constant 144 : index
    %swap3A_937 = tpu.vector_load %arg7[%swap3A_935, %swap3A_936] {strides = array<i32>} : memref<8x208xf32, #tpu.memory_space<vmem>>, vector<1x16xf32>,
    %swap3A_938 = vector.shape_cast %swap3A_937 : vector<1x16xf32> to vector<16xf32>
    %swap3A_939 = vector.shape_cast %div3A_897 : vector<16xf32> to vector<1x16xf32>
    tpu.vector_store %arg7[%swap3A_935, %swap3A_936], %swap3A_939 {strides = array<i32>} : memref<8x208xf32, #tpu.memory_space<vmem>>, vector<1x16xf32>,
    %swap3A_940 = arith.constant 7 : i32
    %swap3A_941 = arith.index_cast %swap3A_940 : i32 to index
    %swap3A_942 = arith.constant 144 : index
    %swap3A_943 = tpu.vector_load %arg7[%swap3A_941, %swap3A_942] {strides = array<i32>} : memref<8x208xf32, #tpu.memory_space<vmem>>, vector<1x16xf32>,
    %swap3A_944 = vector.shape_cast %swap3A_943 : vector<1x16xf32> to vector<16xf32>
    %swap3A_945 = vector.shape_cast %div3A_897 : vector<16xf32> to vector<1x16xf32>
    tpu.vector_store %arg7[%swap3A_941, %swap3A_942], %swap3A_945 {strides = array<i32>} : memref<8x208xf32, #tpu.memory_space<vmem>>, vector<1x16xf32>,
    %get3A_946 = arith.constant 160 : index
    %get3A_947 = tpu.vector_load %arg5[%get3A_946] {strides = array<i32>} : memref<208xf32, #tpu.memory_space<vmem>>, vector<16xf32>,
    %get3A_948 = vector.shape_cast %get3A_947 : vector<16xf32> to vector<16xf32>
    %get3A_949 = arith.constant 160 : index
    %get3A_950 = tpu.vector_load %arg6[%get3A_949] {strides = array<i32>} : memref<208xf32, #tpu.memory_space<vmem>>, vector<16xf32>,
    %get3A_951 = vector.shape_cast %get3A_950 : vector<16xf32> to vector<16xf32>
    %mul3A_952 = arith.mulf %select_n3A, %get3A_948 : vector<16xf32>
    %add3A_953 = arith.addf %mul3A_952, %select_n3A_275 : vector<16xf32>
    %sub3A_954 = arith.subf %add3A_953, %get3A_951 : vector<16xf32>
    %mul3A_955 = arith.constant -1.200000e+01 : f32
    %mul3A_956 = vector.broadcast %mul3A_955 : f32 to vector<16xf32>
    %mul3A_957 = arith.mulf %mul3A_956, %sub3A_954 : vector<16xf32>
    %exp3A_958 = math.exp %mul3A_957 : vector<16xf32>
    %add3A_959 = arith.constant 1.000000e+00 : f32
    %add3A_960 = vector.broadcast %add3A_959 : f32 to vector<16xf32>
    %add3A_961 = arith.addf %add3A_960, %exp3A_958 : vector<16xf32>
    %div3A_962 = arith.constant 1.000000e+00 : f32
    %div3A_963 = vector.broadcast %div3A_962 : f32 to vector<16xf32>
    %div3A_964 = arith.divf %div3A_963, %add3A_961 : vector<16xf32>
    %swap3A_965 = arith.constant 0 : i32
    %swap3A_966 = arith.index_cast %swap3A_965 : i32 to index
    %swap3A_967 = arith.constant 160 : index
    %swap3A_968 = tpu.vector_load %arg7[%swap3A_966, %swap3A_967] {strides = array<i32>} : memref<8x208xf32, #tpu.memory_space<vmem>>, vector<1x16xf32>,
    %swap3A_969 = vector.shape_cast %swap3A_968 : vector<1x16xf32> to vector<16xf32>
    %swap3A_970 = vector.shape_cast %div3A_964 : vector<16xf32> to vector<1x16xf32>
    tpu.vector_store %arg7[%swap3A_966, %swap3A_967], %swap3A_970 {strides = array<i32>} : memref<8x208xf32, #tpu.memory_space<vmem>>, vector<1x16xf32>,
    %swap3A_971 = arith.constant 1 : i32
    %swap3A_972 = arith.index_cast %swap3A_971 : i32 to index
    %swap3A_973 = arith.constant 160 : index
    %swap3A_974 = tpu.vector_load %arg7[%swap3A_972, %swap3A_973] {strides = array<i32>} : memref<8x208xf32, #tpu.memory_space<vmem>>, vector<1x16xf32>,
    %swap3A_975 = vector.shape_cast %swap3A_974 : vector<1x16xf32> to vector<16xf32>
    %swap3A_976 = vector.shape_cast %div3A_964 : vector<16xf32> to vector<1x16xf32>
    tpu.vector_store %arg7[%swap3A_972, %swap3A_973], %swap3A_976 {strides = array<i32>} : memref<8x208xf32, #tpu.memory_space<vmem>>, vector<1x16xf32>,
    %swap3A_977 = arith.constant 2 : i32
    %swap3A_978 = arith.index_cast %swap3A_977 : i32 to index
    %swap3A_979 = arith.constant 160 : index
    %swap3A_980 = tpu.vector_load %arg7[%swap3A_978, %swap3A_979] {strides = array<i32>} : memref<8x208xf32, #tpu.memory_space<vmem>>, vector<1x16xf32>,
    %swap3A_981 = vector.shape_cast %swap3A_980 : vector<1x16xf32> to vector<16xf32>
    %swap3A_982 = vector.shape_cast %div3A_964 : vector<16xf32> to vector<1x16xf32>
    tpu.vector_store %arg7[%swap3A_978, %swap3A_979], %swap3A_982 {strides = array<i32>} : memref<8x208xf32, #tpu.memory_space<vmem>>, vector<1x16xf32>,
    %swap3A_983 = arith.constant 3 : i32
    %swap3A_984 = arith.index_cast %swap3A_983 : i32 to index
    %swap3A_985 = arith.constant 160 : index
    %swap3A_986 = tpu.vector_load %arg7[%swap3A_984, %swap3A_985] {strides = array<i32>} : memref<8x208xf32, #tpu.memory_space<vmem>>, vector<1x16xf32>,
    %swap3A_987 = vector.shape_cast %swap3A_986 : vector<1x16xf32> to vector<16xf32>
    %swap3A_988 = vector.shape_cast %div3A_964 : vector<16xf32> to vector<1x16xf32>
    tpu.vector_store %arg7[%swap3A_984, %swap3A_985], %swap3A_988 {strides = array<i32>} : memref<8x208xf32, #tpu.memory_space<vmem>>, vector<1x16xf32>,
    %swap3A_989 = arith.constant 4 : i32
    %swap3A_990 = arith.index_cast %swap3A_989 : i32 to index
    %swap3A_991 = arith.constant 160 : index
    %swap3A_992 = tpu.vector_load %arg7[%swap3A_990, %swap3A_991] {strides = array<i32>} : memref<8x208xf32, #tpu.memory_space<vmem>>, vector<1x16xf32>,
    %swap3A_993 = vector.shape_cast %swap3A_992 : vector<1x16xf32> to vector<16xf32>
    %swap3A_994 = vector.shape_cast %div3A_964 : vector<16xf32> to vector<1x16xf32>
    tpu.vector_store %arg7[%swap3A_990, %swap3A_991], %swap3A_994 {strides = array<i32>} : memref<8x208xf32, #tpu.memory_space<vmem>>, vector<1x16xf32>,
    %swap3A_995 = arith.constant 5 : i32
    %swap3A_996 = arith.index_cast %swap3A_995 : i32 to index
    %swap3A_997 = arith.constant 160 : index
    %swap3A_998 = tpu.vector_load %arg7[%swap3A_996, %swap3A_997] {strides = array<i32>} : memref<8x208xf32, #tpu.memory_space<vmem>>, vector<1x16xf32>,
    %swap3A_999 = vector.shape_cast %swap3A_998 : vector<1x16xf32> to vector<16xf32>
    %swap3A_1000 = vector.shape_cast %div3A_964 : vector<16xf32> to vector<1x16xf32>
    tpu.vector_store %arg7[%swap3A_996, %swap3A_997], %swap3A_1000 {strides = array<i32>} : memref<8x208xf32, #tpu.memory_space<vmem>>, vector<1x16xf32>,
    %swap3A_1001 = arith.constant 6 : i32
    %swap3A_1002 = arith.index_cast %swap3A_1001 : i32 to index
    %swap3A_1003 = arith.constant 160 : index
    %swap3A_1004 = tpu.vector_load %arg7[%swap3A_1002, %swap3A_1003] {strides = array<i32>} : memref<8x208xf32, #tpu.memory_space<vmem>>, vector<1x16xf32>,
    %swap3A_1005 = vector.shape_cast %swap3A_1004 : vector<1x16xf32> to vector<16xf32>
    %swap3A_1006 = vector.shape_cast %div3A_964 : vector<16xf32> to vector<1x16xf32>
    tpu.vector_store %arg7[%swap3A_1002, %swap3A_1003], %swap3A_1006 {strides = array<i32>} : memref<8x208xf32, #tpu.memory_space<vmem>>, vector<1x16xf32>,
    %swap3A_1007 = arith.constant 7 : i32
    %swap3A_1008 = arith.index_cast %swap3A_1007 : i32 to index
    %swap3A_1009 = arith.constant 160 : index
    %swap3A_1010 = tpu.vector_load %arg7[%swap3A_1008, %swap3A_1009] {strides = array<i32>} : memref<8x208xf32, #tpu.memory_space<vmem>>, vector<1x16xf32>,
    %swap3A_1011 = vector.shape_cast %swap3A_1010 : vector<1x16xf32> to vector<16xf32>
    %swap3A_1012 = vector.shape_cast %div3A_964 : vector<16xf32> to vector<1x16xf32>
    tpu.vector_store %arg7[%swap3A_1008, %swap3A_1009], %swap3A_1012 {strides = array<i32>} : memref<8x208xf32, #tpu.memory_space<vmem>>, vector<1x16xf32>,
    %get3A_1013 = arith.constant 176 : index
    %get3A_1014 = tpu.vector_load %arg5[%get3A_1013] {strides = array<i32>} : memref<208xf32, #tpu.memory_space<vmem>>, vector<16xf32>,
    %get3A_1015 = vector.shape_cast %get3A_1014 : vector<16xf32> to vector<16xf32>
    %get3A_1016 = arith.constant 176 : index
    %get3A_1017 = tpu.vector_load %arg6[%get3A_1016] {strides = array<i32>} : memref<208xf32, #tpu.memory_space<vmem>>, vector<16xf32>,
    %get3A_1018 = vector.shape_cast %get3A_1017 : vector<16xf32> to vector<16xf32>
    %mul3A_1019 = arith.mulf %select_n3A, %get3A_1015 : vector<16xf32>
    %add3A_1020 = arith.addf %mul3A_1019, %select_n3A_275 : vector<16xf32>
    %sub3A_1021 = arith.subf %add3A_1020, %get3A_1018 : vector<16xf32>
    %mul3A_1022 = arith.constant -1.200000e+01 : f32
    %mul3A_1023 = vector.broadcast %mul3A_1022 : f32 to vector<16xf32>
    %mul3A_1024 = arith.mulf %mul3A_1023, %sub3A_1021 : vector<16xf32>
    %exp3A_1025 = math.exp %mul3A_1024 : vector<16xf32>
    %add3A_1026 = arith.constant 1.000000e+00 : f32
    %add3A_1027 = vector.broadcast %add3A_1026 : f32 to vector<16xf32>
    %add3A_1028 = arith.addf %add3A_1027, %exp3A_1025 : vector<16xf32>
    %div3A_1029 = arith.constant 1.000000e+00 : f32
    %div3A_1030 = vector.broadcast %div3A_1029 : f32 to vector<16xf32>
    %div3A_1031 = arith.divf %div3A_1030, %add3A_1028 : vector<16xf32>
    %swap3A_1032 = arith.constant 0 : i32
    %swap3A_1033 = arith.index_cast %swap3A_1032 : i32 to index
    %swap3A_1034 = arith.constant 176 : index
    %swap3A_1035 = tpu.vector_load %arg7[%swap3A_1033, %swap3A_1034] {strides = array<i32>} : memref<8x208xf32, #tpu.memory_space<vmem>>, vector<1x16xf32>,
    %swap3A_1036 = vector.shape_cast %swap3A_1035 : vector<1x16xf32> to vector<16xf32>
    %swap3A_1037 = vector.shape_cast %div3A_1031 : vector<16xf32> to vector<1x16xf32>
    tpu.vector_store %arg7[%swap3A_1033, %swap3A_1034], %swap3A_1037 {strides = array<i32>} : memref<8x208xf32, #tpu.memory_space<vmem>>, vector<1x16xf32>,
    %swap3A_1038 = arith.constant 1 : i32
    %swap3A_1039 = arith.index_cast %swap3A_1038 : i32 to index
    %swap3A_1040 = arith.constant 176 : index
    %swap3A_1041 = tpu.vector_load %arg7[%swap3A_1039, %swap3A_1040] {strides = array<i32>} : memref<8x208xf32, #tpu.memory_space<vmem>>, vector<1x16xf32>,
    %swap3A_1042 = vector.shape_cast %swap3A_1041 : vector<1x16xf32> to vector<16xf32>
    %swap3A_1043 = vector.shape_cast %div3A_1031 : vector<16xf32> to vector<1x16xf32>
    tpu.vector_store %arg7[%swap3A_1039, %swap3A_1040], %swap3A_1043 {strides = array<i32>} : memref<8x208xf32, #tpu.memory_space<vmem>>, vector<1x16xf32>,
    %swap3A_1044 = arith.constant 2 : i32
    %swap3A_1045 = arith.index_cast %swap3A_1044 : i32 to index
    %swap3A_1046 = arith.constant 176 : index
    %swap3A_1047 = tpu.vector_load %arg7[%swap3A_1045, %swap3A_1046] {strides = array<i32>} : memref<8x208xf32, #tpu.memory_space<vmem>>, vector<1x16xf32>,
    %swap3A_1048 = vector.shape_cast %swap3A_1047 : vector<1x16xf32> to vector<16xf32>
    %swap3A_1049 = vector.shape_cast %div3A_1031 : vector<16xf32> to vector<1x16xf32>
    tpu.vector_store %arg7[%swap3A_1045, %swap3A_1046], %swap3A_1049 {strides = array<i32>} : memref<8x208xf32, #tpu.memory_space<vmem>>, vector<1x16xf32>,
    %swap3A_1050 = arith.constant 3 : i32
    %swap3A_1051 = arith.index_cast %swap3A_1050 : i32 to index
    %swap3A_1052 = arith.constant 176 : index
    %swap3A_1053 = tpu.vector_load %arg7[%swap3A_1051, %swap3A_1052] {strides = array<i32>} : memref<8x208xf32, #tpu.memory_space<vmem>>, vector<1x16xf32>,
    %swap3A_1054 = vector.shape_cast %swap3A_1053 : vector<1x16xf32> to vector<16xf32>
    %swap3A_1055 = vector.shape_cast %div3A_1031 : vector<16xf32> to vector<1x16xf32>
    tpu.vector_store %arg7[%swap3A_1051, %swap3A_1052], %swap3A_1055 {strides = array<i32>} : memref<8x208xf32, #tpu.memory_space<vmem>>, vector<1x16xf32>,
    %swap3A_1056 = arith.constant 4 : i32
    %swap3A_1057 = arith.index_cast %swap3A_1056 : i32 to index
    %swap3A_1058 = arith.constant 176 : index
    %swap3A_1059 = tpu.vector_load %arg7[%swap3A_1057, %swap3A_1058] {strides = array<i32>} : memref<8x208xf32, #tpu.memory_space<vmem>>, vector<1x16xf32>,
    %swap3A_1060 = vector.shape_cast %swap3A_1059 : vector<1x16xf32> to vector<16xf32>
    %swap3A_1061 = vector.shape_cast %div3A_1031 : vector<16xf32> to vector<1x16xf32>
    tpu.vector_store %arg7[%swap3A_1057, %swap3A_1058], %swap3A_1061 {strides = array<i32>} : memref<8x208xf32, #tpu.memory_space<vmem>>, vector<1x16xf32>,
    %swap3A_1062 = arith.constant 5 : i32
    %swap3A_1063 = arith.index_cast %swap3A_1062 : i32 to index
    %swap3A_1064 = arith.constant 176 : index
    %swap3A_1065 = tpu.vector_load %arg7[%swap3A_1063, %swap3A_1064] {strides = array<i32>} : memref<8x208xf32, #tpu.memory_space<vmem>>, vector<1x16xf32>,
    %swap3A_1066 = vector.shape_cast %swap3A_1065 : vector<1x16xf32> to vector<16xf32>
    %swap3A_1067 = vector.shape_cast %div3A_1031 : vector<16xf32> to vector<1x16xf32>
    tpu.vector_store %arg7[%swap3A_1063, %swap3A_1064], %swap3A_1067 {strides = array<i32>} : memref<8x208xf32, #tpu.memory_space<vmem>>, vector<1x16xf32>,
    %swap3A_1068 = arith.constant 6 : i32
    %swap3A_1069 = arith.index_cast %swap3A_1068 : i32 to index
    %swap3A_1070 = arith.constant 176 : index
    %swap3A_1071 = tpu.vector_load %arg7[%swap3A_1069, %swap3A_1070] {strides = array<i32>} : memref<8x208xf32, #tpu.memory_space<vmem>>, vector<1x16xf32>,
    %swap3A_1072 = vector.shape_cast %swap3A_1071 : vector<1x16xf32> to vector<16xf32>
    %swap3A_1073 = vector.shape_cast %div3A_1031 : vector<16xf32> to vector<1x16xf32>
    tpu.vector_store %arg7[%swap3A_1069, %swap3A_1070], %swap3A_1073 {strides = array<i32>} : memref<8x208xf32, #tpu.memory_space<vmem>>, vector<1x16xf32>,
    %swap3A_1074 = arith.constant 7 : i32
    %swap3A_1075 = arith.index_cast %swap3A_1074 : i32 to index
    %swap3A_1076 = arith.constant 176 : index
    %swap3A_1077 = tpu.vector_load %arg7[%swap3A_1075, %swap3A_1076] {strides = array<i32>} : memref<8x208xf32, #tpu.memory_space<vmem>>, vector<1x16xf32>,
    %swap3A_1078 = vector.shape_cast %swap3A_1077 : vector<1x16xf32> to vector<16xf32>
    %swap3A_1079 = vector.shape_cast %div3A_1031 : vector<16xf32> to vector<1x16xf32>
    tpu.vector_store %arg7[%swap3A_1075, %swap3A_1076], %swap3A_1079 {strides = array<i32>} : memref<8x208xf32, #tpu.memory_space<vmem>>, vector<1x16xf32>,
    %get3A_1080 = arith.constant 192 : index
    %get3A_1081 = tpu.vector_load %arg5[%get3A_1080] {strides = array<i32>} : memref<208xf32, #tpu.memory_space<vmem>>, vector<16xf32>,
    %get3A_1082 = vector.shape_cast %get3A_1081 : vector<16xf32> to vector<16xf32>
    %get3A_1083 = arith.constant 192 : index
    %get3A_1084 = tpu.vector_load %arg6[%get3A_1083] {strides = array<i32>} : memref<208xf32, #tpu.memory_space<vmem>>, vector<16xf32>,
    %get3A_1085 = vector.shape_cast %get3A_1084 : vector<16xf32> to vector<16xf32>
    %mul3A_1086 = arith.mulf %select_n3A, %get3A_1082 : vector<16xf32>
    %add3A_1087 = arith.addf %mul3A_1086, %select_n3A_275 : vector<16xf32>
    %sub3A_1088 = arith.subf %add3A_1087, %get3A_1085 : vector<16xf32>
    %mul3A_1089 = arith.constant -1.200000e+01 : f32
    %mul3A_1090 = vector.broadcast %mul3A_1089 : f32 to vector<16xf32>
    %mul3A_1091 = arith.mulf %mul3A_1090, %sub3A_1088 : vector<16xf32>
    %exp3A_1092 = math.exp %mul3A_1091 : vector<16xf32>
    %add3A_1093 = arith.constant 1.000000e+00 : f32
    %add3A_1094 = vector.broadcast %add3A_1093 : f32 to vector<16xf32>
    %add3A_1095 = arith.addf %add3A_1094, %exp3A_1092 : vector<16xf32>
    %div3A_1096 = arith.constant 1.000000e+00 : f32
    %div3A_1097 = vector.broadcast %div3A_1096 : f32 to vector<16xf32>
    %div3A_1098 = arith.divf %div3A_1097, %add3A_1095 : vector<16xf32>
    %swap3A_1099 = arith.constant 0 : i32
    %swap3A_1100 = arith.index_cast %swap3A_1099 : i32 to index
    %swap3A_1101 = arith.constant 192 : index
    %swap3A_1102 = tpu.vector_load %arg7[%swap3A_1100, %swap3A_1101] {strides = array<i32>} : memref<8x208xf32, #tpu.memory_space<vmem>>, vector<1x16xf32>,
    %swap3A_1103 = vector.shape_cast %swap3A_1102 : vector<1x16xf32> to vector<16xf32>
    %swap3A_1104 = vector.shape_cast %div3A_1098 : vector<16xf32> to vector<1x16xf32>
    tpu.vector_store %arg7[%swap3A_1100, %swap3A_1101], %swap3A_1104 {strides = array<i32>} : memref<8x208xf32, #tpu.memory_space<vmem>>, vector<1x16xf32>,
    %swap3A_1105 = arith.constant 1 : i32
    %swap3A_1106 = arith.index_cast %swap3A_1105 : i32 to index
    %swap3A_1107 = arith.constant 192 : index
    %swap3A_1108 = tpu.vector_load %arg7[%swap3A_1106, %swap3A_1107] {strides = array<i32>} : memref<8x208xf32, #tpu.memory_space<vmem>>, vector<1x16xf32>,
    %swap3A_1109 = vector.shape_cast %swap3A_1108 : vector<1x16xf32> to vector<16xf32>
    %swap3A_1110 = vector.shape_cast %div3A_1098 : vector<16xf32> to vector<1x16xf32>
    tpu.vector_store %arg7[%swap3A_1106, %swap3A_1107], %swap3A_1110 {strides = array<i32>} : memref<8x208xf32, #tpu.memory_space<vmem>>, vector<1x16xf32>,
    %swap3A_1111 = arith.constant 2 : i32
    %swap3A_1112 = arith.index_cast %swap3A_1111 : i32 to index
    %swap3A_1113 = arith.constant 192 : index
    %swap3A_1114 = tpu.vector_load %arg7[%swap3A_1112, %swap3A_1113] {strides = array<i32>} : memref<8x208xf32, #tpu.memory_space<vmem>>, vector<1x16xf32>,
    %swap3A_1115 = vector.shape_cast %swap3A_1114 : vector<1x16xf32> to vector<16xf32>
    %swap3A_1116 = vector.shape_cast %div3A_1098 : vector<16xf32> to vector<1x16xf32>
    tpu.vector_store %arg7[%swap3A_1112, %swap3A_1113], %swap3A_1116 {strides = array<i32>} : memref<8x208xf32, #tpu.memory_space<vmem>>, vector<1x16xf32>,
    %swap3A_1117 = arith.constant 3 : i32
    %swap3A_1118 = arith.index_cast %swap3A_1117 : i32 to index
    %swap3A_1119 = arith.constant 192 : index
    %swap3A_1120 = tpu.vector_load %arg7[%swap3A_1118, %swap3A_1119] {strides = array<i32>} : memref<8x208xf32, #tpu.memory_space<vmem>>, vector<1x16xf32>,
    %swap3A_1121 = vector.shape_cast %swap3A_1120 : vector<1x16xf32> to vector<16xf32>
    %swap3A_1122 = vector.shape_cast %div3A_1098 : vector<16xf32> to vector<1x16xf32>
    tpu.vector_store %arg7[%swap3A_1118, %swap3A_1119], %swap3A_1122 {strides = array<i32>} : memref<8x208xf32, #tpu.memory_space<vmem>>, vector<1x16xf32>,
    %swap3A_1123 = arith.constant 4 : i32
    %swap3A_1124 = arith.index_cast %swap3A_1123 : i32 to index
    %swap3A_1125 = arith.constant 192 : index
    %swap3A_1126 = tpu.vector_load %arg7[%swap3A_1124, %swap3A_1125] {strides = array<i32>} : memref<8x208xf32, #tpu.memory_space<vmem>>, vector<1x16xf32>,
    %swap3A_1127 = vector.shape_cast %swap3A_1126 : vector<1x16xf32> to vector<16xf32>
    %swap3A_1128 = vector.shape_cast %div3A_1098 : vector<16xf32> to vector<1x16xf32>
    tpu.vector_store %arg7[%swap3A_1124, %swap3A_1125], %swap3A_1128 {strides = array<i32>} : memref<8x208xf32, #tpu.memory_space<vmem>>, vector<1x16xf32>,
    %swap3A_1129 = arith.constant 5 : i32
    %swap3A_1130 = arith.index_cast %swap3A_1129 : i32 to index
    %swap3A_1131 = arith.constant 192 : index
    %swap3A_1132 = tpu.vector_load %arg7[%swap3A_1130, %swap3A_1131] {strides = array<i32>} : memref<8x208xf32, #tpu.memory_space<vmem>>, vector<1x16xf32>,
    %swap3A_1133 = vector.shape_cast %swap3A_1132 : vector<1x16xf32> to vector<16xf32>
    %swap3A_1134 = vector.shape_cast %div3A_1098 : vector<16xf32> to vector<1x16xf32>
    tpu.vector_store %arg7[%swap3A_1130, %swap3A_1131], %swap3A_1134 {strides = array<i32>} : memref<8x208xf32, #tpu.memory_space<vmem>>, vector<1x16xf32>,
    %swap3A_1135 = arith.constant 6 : i32
    %swap3A_1136 = arith.index_cast %swap3A_1135 : i32 to index
    %swap3A_1137 = arith.constant 192 : index
    %swap3A_1138 = tpu.vector_load %arg7[%swap3A_1136, %swap3A_1137] {strides = array<i32>} : memref<8x208xf32, #tpu.memory_space<vmem>>, vector<1x16xf32>,
    %swap3A_1139 = vector.shape_cast %swap3A_1138 : vector<1x16xf32> to vector<16xf32>
    %swap3A_1140 = vector.shape_cast %div3A_1098 : vector<16xf32> to vector<1x16xf32>
    tpu.vector_store %arg7[%swap3A_1136, %swap3A_1137], %swap3A_1140 {strides = array<i32>} : memref<8x208xf32, #tpu.memory_space<vmem>>, vector<1x16xf32>,
    %swap3A_1141 = arith.constant 7 : i32
    %swap3A_1142 = arith.index_cast %swap3A_1141 : i32 to index
    %swap3A_1143 = arith.constant 192 : index
    %swap3A_1144 = tpu.vector_load %arg7[%swap3A_1142, %swap3A_1143] {strides = array<i32>} : memref<8x208xf32, #tpu.memory_space<vmem>>, vector<1x16xf32>,
    %swap3A_1145 = vector.shape_cast %swap3A_1144 : vector<1x16xf32> to vector<16xf32>
    %swap3A_1146 = vector.shape_cast %div3A_1098 : vector<16xf32> to vector<1x16xf32>
    tpu.vector_store %arg7[%swap3A_1142, %swap3A_1143], %swap3A_1146 {strides = array<i32>} : memref<8x208xf32, #tpu.memory_space<vmem>>, vector<1x16xf32>,
    %mul3A_1147 = arith.constant 8 : i32
    %mul3A_1148 = arith.muli %add3A, %mul3A_1147 : i32
    "tpu.region"() ({
      %run_scoped3A = tpu.sem_alloc : memref<!tpu.dma_semaphore, #tpu.memory_space<semaphore_mem>>
      %dma_start3A = arith.constant 0 : i32
      %dma_start3A_1149 = tpu.memref_slice %arg4[%mul3A_1148, %dma_start3A] : memref<128x208xf32, #tpu.memory_space<hbm>> -> memref<8x208xf32, #tpu.memory_space<hbm>>
      %dma_start3A_1150 = arith.constant 0 : i32
      %dma_start3A_1151 = tpu.memref_slice %arg4[%mul3A_1148, %dma_start3A_1150] : memref<128x208xf32, #tpu.memory_space<hbm>> -> memref<8x208xf32, #tpu.memory_space<hbm>>
      tpu.enqueue_dma source(%arg7 : memref<8x208xf32, #tpu.memory_space<vmem>>) target(%dma_start3A_1151 : memref<8x208xf32, #tpu.memory_space<hbm>>) target_semaphore(%run_scoped3A : memref<!tpu.dma_semaphore, #tpu.memory_space<semaphore_mem>>)
      %dma_wait3A = arith.constant 0 : i32
      %dma_wait3A_1152 = tpu.memref_slice %arg4[%mul3A_1148, %dma_wait3A] : memref<128x208xf32, #tpu.memory_space<hbm>> -> memref<8x208xf32, #tpu.memory_space<hbm>>
      %dma_wait3A_1153 = arith.constant 0 : i32
      %dma_wait3A_1154 = tpu.memref_slice %arg4[%mul3A_1148, %dma_wait3A_1153] : memref<128x208xf32, #tpu.memory_space<hbm>> -> memref<8x208xf32, #tpu.memory_space<hbm>>
      tpu.wait_dma2 semaphore(%run_scoped3A : memref<!tpu.dma_semaphore, #tpu.memory_space<semaphore_mem>>) src(%arg7 : memref<8x208xf32, #tpu.memory_space<vmem>>) dst(%dma_wait3A_1154 : memref<8x208xf32, #tpu.memory_space<hbm>>)
      tpu.yield
    }) : () -> ()
    return
  }
}

</mosaic_0001>

<sc_bundles>
// kernel: kernel.3.cloned.1.call-start
scs
__scs_entry_jumppad:
0x0: {  	(pc) =	sbr.rel $0x88, $3  }
0x1: {  	(tag) =	ssettag $0x0;
	lr =	simm.s32 $0x1  }
0x2: {  	[smem:$0x3FA0] =	sst lr;
	_ =	strace $0xD0000000  }
0x3: {  	_ = 	snop  }
0x4: {  	_ = 	snop  }
0x5: {  	_ = 	snop  }
0x6: {  	_ = 	snop  }
0x7: {  	_ = 	snop  }
__scs_overlays_trampoline_lowered:
0x8: {  	[smem:$0x3FAF] =	sst s0  }
0x9: {  	[smem:$0x3FB0] =	sst s1  }
0xa: {  	[smem:$0x3FB1] =	sst s2  }
0xb: {  	[smem:$0x3FB2] =	sst s3  }
0xc: {  	[smem:$0x3FB3] =	sst s4  }
0xd: {  	[smem:$0x3FB4] =	sst s5  }
0xe: {  	[smem:$0x3FB5] =	sst s6  }
0xf: {  	[smem:$0x3FB6] =	sst s7  }
0x10: {  	[smem:$0x3FB7] =	sst s8  }
0x11: {  	[smem:$0x3FB8] =	sst s9;
	s0 =	simm.s32 @!p0 $0x0  }
0x12: {  	s1 =	sld [smem:$0x3F9E];
	s0 =	simm.s32 @p0 $0x1  }
0x13: {  	[smem:$0x3FB9] =	sst s0;
	s0 =	simm.s32 @!p1 $0x0  }
0x14: {  	s2 =	sld [smem:$0x3F9D];
	s0 =	simm.s32 @p1 $0x1  }
0x15: {  	[smem:$0x3FBA] =	sst s0;
	s0 =	simm.s32 @!p2 $0x0  }
0x16: {  	s3 =	sld [smem:$0x3FDB];
	s0 =	simm.s32 @p2 $0x1  }
0x17: {  	s4 =	simm.s32 $0x1BF5;
	[smem:$0x3FBC] =	sst s0  }
0x18: {  	s0 =	sld [smem:$0x3F9F];
	_ =	swait.ge [sflag:s4], $0x0  }
0x19: {  	s7 =	sld [smem:$0x3FA0]  }
0x1a: {  	s8 =	sadd.s32 $0xFFFFE003, lr  }
0x1b: {  	s9 =	sadd.s32 $0xFFFFFEF7, lr;
	s5 =	simm.s32 $0xFFFFFFFF;
	p2 =	slt.u32 s8, $0xFFFFF086  }
0x1c: {  	p1 =	slt.u32 s9, $0xF7A;
	s5 =	simm.s32 @!p2 $0x0  }
0x1d: {  	s5 =	simm.s32 @p1 $0x1;
	p0 =	seq.s32 s7, s2  }
0x1e: {  	s7 =	smul.u32 @!p0 $0xF7A, s2;
	p2 =	seq.s32 @!p0 s5, $0x0  }
0x1f: {  	s9 =	smul.u32 $0xF7A, s1;
	s8 =	simm.s32 @!p0 $0x1BF5;
	p2 =	por !p2, p0  }
0x20: {  	[sflag:s8] =	ssyncset.s32 @!p0 $0xFFFFF086;
	s6 =	sadd.s32 @!p0 s3, s7;
	s7 =	simm.s32 @!p0 $0x108  }
0x21: {  	s3 =	sadd.s32 s3, s9;
	s6 =	sadd.s32 @!p0 $0x88, s6;
	s7 =	simm.s32 @p2 $0x1082  }
0x22: {  	[simem:s7], [sflag:s8] =	dma.local @!p0 [hbm:s6], $0xF7A  }
0x23: {  	s9 =	sor.u32 $0xD0000000, s2;
	s6 =	simm.s32 $0x108;
	_ =	swait.ge @!p0 [sflag:s8], $0x0  }
0x24: {  	s3 =	sadd.s32 $0x88, s3;
	s6 =	simm.s32 @!p1 $0x1082;
	[sflag:s4] =	ssyncset.s32 $0xFFFFF086  }
0x25: {  	[simem:s6], [sflag:s4] =	dma.local [hbm:s3], $0xF7A  }
0x26: {  	[smem:$0x3FA0] =	sst s1;
	(tag) =	ssettag s2;
	_ =	strace s9  }
0x27: {  	s1 =	sld [smem:$0x3FB0]  }
0x28: {  	s2 =	sld [smem:$0x3FB1]  }
0x29: {  	s4 =	sld [smem:$0x3FB3]  }
0x2a: {  	p0 =	seq.s32 s5, $0x0;
	s5 =	sld [smem:$0x3FB4]  }
0x2b: {  	s6 =	sld [smem:$0x3FB5]  }
0x2c: {  	s7 =	sld [smem:$0x3FB6]  }
0x2d: {  	s3 =	simm.s32 $0x108;
	s8 =	sld [smem:$0x3FB7]  }
0x2e: {  	s3 =	simm.s32 @!p0 $0x1082;
	s9 =	sld [smem:$0x3FB8]  }
0x2f: {  	lr =	sadd.s32 s0, s3;
	s0 =	sld [smem:$0x3FAF]  }
0x30: {  	s3 =	sld [smem:$0x3FB2]  }
0x31: {  	[smem:$0x3FBB] =	sst s10  }
0x32: {  	s10 =	sld [smem:$0x3FB9];
	_ =	sdelay $0x3  }
0x33: {  	p0 =	seq.s32 s10, $0x1;
	s10 =	sld [smem:$0x3FBB];
	_ =	sdelay $0x3  }
0x34: {  	[smem:$0x3FBB] =	sst s10  }
0x35: {  	s10 =	sld [smem:$0x3FBA];
	_ =	sdelay $0x3  }
0x36: {  	p1 =	seq.s32 s10, $0x1;
	s10 =	sld [smem:$0x3FBB];
	_ =	sdelay $0x3  }
0x37: {  	[smem:$0x3FBB] =	sst s10  }
0x38: {  	s10 =	sld [smem:$0x3FBC]  }
0x39: {  	_ = 	snop;
	(pc) =	sbr.ind lr, $3  }
0x3a: {  	_ = 	snop  }
0x3b: {  	_ = 	snop  }
0x3c: {  	p2 =	seq.s32 s10, $0x1;
	s10 =	sld [smem:$0x3FBB]  }
0x3d: {  	_ =	shalt  }
0x3e: {  	_ =	shalt  }
0x3f: {  	_ =	shalt  }
0x40: {  	_ =	shalt  }
0x41: {  	_ =	shalt  }
0x42: {  	_ =	shalt  }
0x43: {  	_ =	shalt  }
0x44: {  	_ =	shalt  }
0x45: {  	_ =	shalt  }
0x46: {  	_ =	shalt  }
0x47: {  	_ =	shalt  }
0x48: {  	_ =	shalt  }
0x49: {  	_ =	shalt  }
0x4a: {  	_ =	shalt  }
0x4b: {  	_ =	shalt  }
0x4c: {  	_ =	shalt  }
0x4d: {  	_ =	shalt  }
0x4e: {  	_ =	shalt  }
0x4f: {  	_ =	shalt  }
0x50: {  	_ =	shalt  }
0x51: {  	_ =	shalt  }
0x52: {  	_ =	shalt  }
0x53: {  	_ =	shalt  }
0x54: {  	_ =	shalt  }
0x55: {  	_ =	shalt  }
0x56: {  	_ =	shalt  }
0x57: {  	_ =	shalt  }
0x58: {  	_ =	shalt  }
0x59: {  	_ =	shalt  }
0x5a: {  	_ =	shalt  }
0x5b: {  	_ =	shalt  }
0x5c: {  	_ =	shalt  }
0x5d: {  	_ =	shalt  }
0x5e: {  	_ =	shalt  }
0x5f: {  	_ =	shalt  }
0x60: {  	_ =	shalt  }
0x61: {  	_ =	shalt  }
0x62: {  	_ =	shalt  }
0x63: {  	_ =	shalt  }
0x64: {  	_ =	shalt  }
0x65: {  	_ =	shalt  }
0x66: {  	_ =	shalt  }
0x67: {  	_ =	shalt  }
0x68: {  	_ =	shalt  }
0x69: {  	_ =	shalt  }
0x6a: {  	_ =	shalt  }
0x6b: {  	_ =	shalt  }
0x6c: {  	_ =	shalt  }
0x6d: {  	_ =	shalt  }
0x6e: {  	_ =	shalt  }
0x6f: {  	_ =	shalt  }
0x70: {  	_ =	shalt  }
0x71: {  	_ =	shalt  }
0x72: {  	_ =	shalt  }
0x73: {  	_ =	shalt  }
0x74: {  	_ =	shalt  }
0x75: {  	_ =	shalt  }
0x76: {  	_ =	shalt  }
0x77: {  	_ =	shalt  }
0x78: {  	_ =	shalt  }
0x79: {  	_ =	shalt  }
0x7a: {  	_ =	shalt  }
0x7b: {  	_ =	shalt  }
0x7c: {  	_ =	shalt  }
0x7d: {  	_ =	shalt  }
0x7e: {  	_ =	shalt  }
0x7f: {  	_ =	shalt  }
0x80: {  	_ =	shalt  }
0x81: {  	_ =	shalt  }
0x82: {  	_ =	shalt  }
0x83: {  	_ =	shalt  }
0x84: {  	_ =	shalt  }
0x85: {  	_ =	shalt  }
0x86: {  	_ =	shalt  }
0x87: {  	_ =	shalt  }
.Lfunc_end0:
.L_simem_size_0:
called_computation_lowered:
.L_overlay_start_0:
0x88: {  	s0 =	sld [smem:$0x3FD9]  }
0x89: {  	s1 =	sld [smem:$0x3FFE];
	_ =	sdelay $0x3  }
0x8a: {  	s0 =	sadd.s32 s1, s0  }
0x8b: {  	[smem:$0x3FC7] =	sst s0  }
0x8c: {  	_ = 	snop  }
0x8d: {  	s0 =	sld [smem:$0x3FC9]  }
0x8e: {  	s16 =	sld [smem:$0x3FD0];
	(tm) =	ssettm $0x1  }
0x8f: {  	s2 =	sld [smem:$0x3FFB];
	_ =	sdelay $0x3  }
0x90: {  	_ =	strace s2  }
0x91: {  	s2 =	sld [smem:$0x3FFC];
	_ =	sdelay $0x3  }
0x92: {  	_ =	strace s2  }
0x93: {  	s2 =	sld [smem:$0x3FFD];
	_ =	sdelay $0x3  }
0x94: {  	_ =	strace s2  }
0x95: {  	_ =	strace $0x8FFFFFFF  }
0x96: {  	s17 =	sld [smem:$0x3FDB];
	_ =	sdelay $0x1  }
0x97: {  	s3 =	simm.s32 $_scs_section_size  }
0x98: {  	s4 =	simm.s32 $_size__tile_overlayer_lowered;
	s5 =	simm.s32 $_tile_overlayer_lowered  }
0x99: {  	s20 =	simm.s32 $0x1BFF;
	s19 =	sshll.u32 s5, $0x1;
	s2 =	sadd.s32 s3, s17  }
0x9a: {  	s6 =	simm.s32 $0x0;
	s18 =	sshll.u32 s4, $0x1;
	s4 =	sadd.s32 s19, s2  }
0x9b: {  	[timem:s6], [sflag:s20] =	dma.local [hbm:s4], s18  }
0x9c: {  	_ =	swait.ge [sflag:s20], s18  }
0x9d: {  	s3 =	ssub.s32 $0x0, s18;
	[sflag:s20] =	ssyncset.done $0x0  }
0x9e: {  	[sflag:s20] =	ssyncadd.s32 s3;
	_ =	sdelay $0x1  }
0x9f: {  	s21 =	simm.s32 $0x1B8B  }
0xa0: {  	_ =	swait.ge [sflag:s21], $0x1  }
0xa1: {  	[sflag:s21] =	ssyncset.done $0x0  }
0xa2: {  	s23 =	simm.s32 $0x1B8E;
	s22 =	sld [smem:$0x3FFE];
	[sflag:s21] =	ssyncadd.s32 $0xFFFFFFFF  }
0xa3: {  	s24 =	simm.s32 $execute0_lowered;
	[smem:$0x3FD2] =	sst s23  }
0xa4: {  	s4 =	sshll.u32 s24, $0x1;
	_ =	strace $0x80000046;
	[dreg:$0x1] =	wrdreg $0xFFFFFFFF  }
0xa5: {  	s25 =	simm.s32 $_size_execute0_lowered;
	s2 =	sadd.s32 s2, s4;
	[dreg:$0x0] =	wrdreg $0x0  }
0xa6: {  	s4 =	sshll.u32 s25, $0x1;
	[dreg:$0x2] =	wrdreg s2  }
0xa7: {  	[dreg:$0x3] =	wrdreg s4  }
0xa8: {  	[dreg:$0x4] =	wrdreg $0xC0  }
0xa9: {  	_ =	task [dreg:s6], $0x5FFFF  }
0xaa: {  	[dreg:$0x1] =	wrdreg $0xFFFFFFFF  }
0xab: {  	[dreg:$0x0] =	wrdreg $0x60  }
0xac: {  	[dreg:$0x2] =	wrdreg s0  }
0xad: {  	[dreg:$0x3] =	wrdreg s16  }
0xae: {  	[dreg:$0x4] =	wrdreg s22  }
0xaf: {  	[dreg:$0x5] =	wrdreg $0x9  }
0xb0: {  	_ =	task.clear_ibuf [dreg:s6], $0x6FFFF;
	_ =	strace $0x90000046  }
0xb1: {  	s26 =	simm.s32 $0x9;
	_ =	strace $0x80000048  }
0xb2: {  	_ =	swait.ge [sflag:s26], $0x1  }
0xb3: {  	[sflag:s26] =	ssyncadd.s32 $0xFFFFFFFF  }
0xb4: {  	_ =	strace $0x90000048  }
0xb5: {  	_ =	sfence  }
0xb6: {  	s28 =	sld [smem:$0x0];
	_ =	sdelay $0x1  }
0xb7: {  	s29 =	srdreg.scid  }
0xb8: {  	s30 =	sshll.u32 s29, $0xD;
	s31 =	sshrl.u32 s29, $0x2  }
0xb9: {  	s1 =	sand.u32 $0x1, s29;
	s2 =	sand.u32 $0x4000, s30;
	s0 =	sadd.s32 s31, s28  }
0xba: {  	s1 =	sor.u32 s2, s1;
	s0 =	sshll.u32 s0, $0x11  }
0xbb: {  	s0 =	sor.u32 s0, s1  }
0xbc: {  	s0 =	sadd.s32 $0x8F2B, s0  }
0xbd: {  	[sflag:s0] =	ssyncadd.remote.s32 $0x1  }
0xbe: {  	_ =	sfence.sel $0xFFFF  }
0xbf: {  	[dreg:$0x0] =	wrdreg $0xFFFFFFFF;
	(pc) =	sbr.abs _section_cstart, $3  }
0xc0: {  	[dreg:$0x1] =	wrdreg $0xFFFFFFFF  }
0xc1: {  	_ =	task.clear_ibuf [dreg:s6], $0x2FFFF;
	_ =	strace $0x9FFFFFFF  }
0xc2: {  	(tm) =	ssettm $0x7FFFFFFF  }
0xc3: {  	_ =	shalt  }
tec
execute0_lowered:
.L_overlay_start_1:
0x0: {  	(tag) =	ssettag $0x1  }
0x1: {  	s3 =	rddreg [dreg:$0x0]  }
0x2: {  	s4 =	rddreg [dreg:$0x1]  }
0x3: {  	s2 =	rddreg [dreg:$0x2];
	s1 =	simm.s32 $0x0  }
0x4: {  	[smem:$0x7FF] =	sst s1  }
0x5: {  	s0 =	rddreg [dreg:$0x3];
	_ =	strace $0x80000047  }
0x6: {  	[tilespmem:s1], [sflag:$0x1] =	stream.linear.gather [hbm4b:s3+s1], $0x100, $0x38;
	[tilespmem:$0xA00] =	vst v63  }
0x7: {  	s24 =	simm.s32 $0x100;
	s25 =	simm.s32 $0x1  }
0x8: {  	[tilespmem:s24], [sflag:$0x2] =	stream.linear.gather [hbm4b:s4+s1], $0x100, $0x38;
	[tilespmem:$0xA00] =	vst v63  }
0x9: {  	_ =	swait.ge [sflag:s25], $0x100  }
0xa: {  	[sflag:s25] =	ssyncset.done $0x0  }
0xb: {  	[sflag:s25] =	ssyncadd.s32 $0xFFFFFF00  }
0xc: {  	v0 =	vld [tilespmem:$0x0];
	_ =	sdelay $0x4  }
0xd: {  	v0 =	vmul.f32 $-5.000000000e+00, v0;
	_ =	sdelay $0x1  }
0xe: {  	v0 =	vmul.f32 $1.442695020e+00, v0;
	_ =	sdelay $0x1  }
0xf: {  	(erf) = vpow2.f32 v0;
	_ =	sdelay $0x3  }
0x10: {  	v27 =	vld [tilespmem:$0x10];
	_ =	sdelay $0x4  }
0x11: {  	v0 =	vmul.f32 $-5.000000000e+00, v27;
	v1 =	vpop (erf)  }
0x12: {  	v1 =	vadd.f32 $1.000000000e+00, v1  }
0x13: {  	v0 =	vmul.f32 $1.442695020e+00, v0  }
0x14: {  	(erf) = vrcp.f32 v1  }
0x15: {  	(erf) = vpow2.f32 v0;
	_ =	sdelay $0x3  }
0x16: {  	v28 =	vld [tilespmem:$0x20];
	_ =	sdelay $0x3  }
0x17: {  	v1 =	vpop (erf)  }
0x18: {  	v0 =	vmul.f32 $-5.000000000e+00, v28;
	v2 =	vpop (erf)  }
0x19: {  	v2 =	vadd.f32 $1.000000000e+00, v2  }
0x1a: {  	v0 =	vmul.f32 $1.442695020e+00, v0  }
0x1b: {  	(erf) = vrcp.f32 v2  }
0x1c: {  	(erf) = vpow2.f32 v0;
	_ =	sdelay $0x3  }
0x1d: {  	v29 =	vld [tilespmem:$0x30];
	_ =	sdelay $0x3  }
0x1e: {  	v30 =	vpop (erf)  }
0x1f: {  	v2 =	vmul.f32 $-5.000000000e+00, v29;
	v3 =	vpop (erf)  }
0x20: {  	v3 =	vadd.f32 $1.000000000e+00, v3  }
0x21: {  	v2 =	vmul.f32 $1.442695020e+00, v2  }
0x22: {  	(erf) = vrcp.f32 v3  }
0x23: {  	(erf) = vpow2.f32 v2;
	_ =	sdelay $0x3  }
0x24: {  	v31 =	vld [tilespmem:$0x40];
	_ =	sdelay $0x3  }
0x25: {  	v3 =	vpop (erf)  }
0x26: {  	v2 =	vmul.f32 $-5.000000000e+00, v31;
	v4 =	vpop (erf)  }
0x27: {  	v4 =	vadd.f32 $1.000000000e+00, v4  }
0x28: {  	v2 =	vmul.f32 $1.442695020e+00, v2  }
0x29: {  	(erf) = vrcp.f32 v4  }
0x2a: {  	(erf) = vpow2.f32 v2;
	_ =	sdelay $0x3  }
0x2b: {  	v32 =	vld [tilespmem:$0x50];
	_ =	sdelay $0x3  }
0x2c: {  	v4 =	vpop (erf)  }
0x2d: {  	v2 =	vmul.f32 $-5.000000000e+00, v32;
	v5 =	vpop (erf)  }
0x2e: {  	v5 =	vadd.f32 $1.000000000e+00, v5  }
0x2f: {  	v2 =	vmul.f32 $1.442695020e+00, v2  }
0x30: {  	(erf) = vrcp.f32 v5  }
0x31: {  	(erf) = vpow2.f32 v2;
	_ =	sdelay $0x3  }
0x32: {  	v33 =	vld [tilespmem:$0x60];
	_ =	sdelay $0x3  }
0x33: {  	v5 =	vpop (erf)  }
0x34: {  	v2 =	vmul.f32 $-5.000000000e+00, v33;
	v6 =	vpop (erf)  }
0x35: {  	v6 =	vadd.f32 $1.000000000e+00, v6  }
0x36: {  	v2 =	vmul.f32 $1.442695020e+00, v2  }
0x37: {  	(erf) = vrcp.f32 v6  }
0x38: {  	(erf) = vpow2.f32 v2;
	_ =	sdelay $0x3  }
0x39: {  	v34 =	vld [tilespmem:$0x70];
	_ =	sdelay $0x3  }
0x3a: {  	v6 =	vpop (erf)  }
0x3b: {  	v2 =	vmul.f32 $-5.000000000e+00, v34;
	v7 =	vpop (erf)  }
0x3c: {  	v7 =	vadd.f32 $1.000000000e+00, v7  }
0x3d: {  	v2 =	vmul.f32 $1.442695020e+00, v2  }
0x3e: {  	(erf) = vrcp.f32 v7  }
0x3f: {  	(erf) = vpow2.f32 v2;
	_ =	sdelay $0x3  }
0x40: {  	v35 =	vld [tilespmem:$0x80];
	_ =	sdelay $0x3  }
0x41: {  	v7 =	vpop (erf)  }
0x42: {  	v2 =	vmul.f32 $-5.000000000e+00, v35;
	v8 =	vpop (erf)  }
0x43: {  	v8 =	vadd.f32 $1.000000000e+00, v8  }
0x44: {  	v2 =	vmul.f32 $1.442695020e+00, v2  }
0x45: {  	(erf) = vrcp.f32 v8  }
0x46: {  	(erf) = vpow2.f32 v2;
	_ =	sdelay $0x3  }
0x47: {  	v36 =	vld [tilespmem:$0x90];
	_ =	sdelay $0x3  }
0x48: {  	v8 =	vpop (erf)  }
0x49: {  	v2 =	vmul.f32 $-5.000000000e+00, v36;
	v9 =	vpop (erf)  }
0x4a: {  	v9 =	vadd.f32 $1.000000000e+00, v9  }
0x4b: {  	v2 =	vmul.f32 $1.442695020e+00, v2  }
0x4c: {  	(erf) = vrcp.f32 v9  }
0x4d: {  	(erf) = vpow2.f32 v2;
	_ =	sdelay $0x3  }
0x4e: {  	v37 =	vld [tilespmem:$0xA0];
	_ =	sdelay $0x3  }
0x4f: {  	v9 =	vpop (erf)  }
0x50: {  	v2 =	vmul.f32 $-5.000000000e+00, v37;
	v10 =	vpop (erf)  }
0x51: {  	v10 =	vadd.f32 $1.000000000e+00, v10  }
0x52: {  	v2 =	vmul.f32 $1.442695020e+00, v2  }
0x53: {  	(erf) = vrcp.f32 v10  }
0x54: {  	(erf) = vpow2.f32 v2;
	_ =	sdelay $0x3  }
0x55: {  	v38 =	vld [tilespmem:$0xB0];
	_ =	sdelay $0x3  }
0x56: {  	v10 =	vpop (erf)  }
0x57: {  	v2 =	vmul.f32 $-5.000000000e+00, v38;
	v11 =	vpop (erf)  }
0x58: {  	v11 =	vadd.f32 $1.000000000e+00, v11  }
0x59: {  	v2 =	vmul.f32 $1.442695020e+00, v2  }
0x5a: {  	(erf) = vrcp.f32 v11  }
0x5b: {  	(erf) = vpow2.f32 v2;
	_ =	sdelay $0x3  }
0x5c: {  	v39 =	vld [tilespmem:$0xC0];
	_ =	sdelay $0x3  }
0x5d: {  	v11 =	vpop (erf)  }
0x5e: {  	v2 =	vmul.f32 $-5.000000000e+00, v39;
	v12 =	vpop (erf)  }
0x5f: {  	v12 =	vadd.f32 $1.000000000e+00, v12  }
0x60: {  	v13 =	vadd.f32 $0.0e+00, v1;
	v2 =	vmul.f32 $1.442695020e+00, v2  }
0x61: {  	(erf) = vrcp.f32 v12  }
0x62: {  	v40 =	vadd.f32 v30, v13;
	(erf) = vpow2.f32 v2;
	_ =	sdelay $0x1  }
0x63: {  	v41 =	vadd.f32 v3, v40;
	_ =	sdelay $0x1  }
0x64: {  	v2 =	vadd.f32 v4, v41;
	_ =	sdelay $0x1  }
0x65: {  	v2 =	vadd.f32 v5, v2;
	_ =	sdelay $0x1  }
0x66: {  	v2 =	vadd.f32 v6, v2;
	v42 =	vpop (erf)  }
0x67: {  	v43 =	vpop (erf)  }
0x68: {  	v2 =	vadd.f32 v7, v2;
	v13 =	vadd.f32 $1.000000000e+00, v43;
	_ =	sdelay $0x1  }
0x69: {  	v2 =	vadd.f32 v8, v2;
	(erf) = vrcp.f32 v13;
	_ =	sdelay $0x1  }
0x6a: {  	v2 =	vadd.f32 v9, v2  }
0x6b: {  	v44 =	vimm.s32 $0xFEDCBA98  }
0x6c: {  	v14 =	vimm.s32 $0x76543210;
	v2 =	vadd.f32 v10, v2;
	v13 =	vunpack.c.l.s4.s8 v44  }
0x6d: {  	v14 =	vunpack.c.l.s4.s8 v14  }
0x6e: {  	v2 =	vadd.f32 v11, v2;
	v13 =	vunpack.c.0.s8.s32 v13  }
0x6f: {  	v45 =	vimm.s32 $0xBA98FEDC;
	v14 =	vunpack.c.0.s8.s32 v14  }
0x70: {  	v16 =	vimm.s32 $0x32107654;
	v2 =	vadd.f32 v42, v2;
	v13 =	vand.u32 $0xF, v13  }
0x71: {  	v16 =	vunpack.c.l.s4.s8 v16;
	v13 =	vcombine.low v13, v14;
	v14 =	vunpack.c.l.s4.s8 v45;
	v15 =	vpop (erf)  }
0x72: {  	v2 =	vadd.f32 v15, v2  }
0x73: {  	v16 =	vunpack.c.0.s8.s32 v16;
	v14 =	vunpack.c.0.s8.s32 v14  }
0x74: {  	v13 =	vperm.xlane v2, v13  }
0x75: {  	v47 =	vimm.s32 $0xDCFE98BA;
	v48 =	vimm.s32 $0x54761032;
	v46 =	vcombine.low v16, v14  }
0x76: {  	v14 =	vunpack.c.l.s4.s8 v47;
	v16 =	vunpack.c.l.s4.s8 v48;
	v2 =	vadd.f32 v2, v13  }
0x77: {  	v17 =	vimm.s32 $0x67452301  }
0x78: {  	v14 =	vunpack.c.0.s8.s32 v14;
	v16 =	vunpack.c.0.s8.s32 v16;
	v13 =	vperm.xlane v2, v46  }
0x79: {  	v49 =	vimm.s32 $0xEFCDAB89;
	v50 =	vunpack.c.l.s4.s8 v17  }
0x7a: {  	v14 =	vcombine.low v16, v14;
	v2 =	vadd.f32 v2, v13;
	v13 =	vunpack.c.l.s4.s8 v49;
	_ =	sdelay $0x1  }
0x7b: {  	v16 =	vunpack.c.0.s8.s32 v50;
	v14 =	vperm.xlane v2, v14;
	v13 =	vunpack.c.0.s8.s32 v13;
	_ =	sdelay $0x1  }
0x7c: {  	v2 =	vadd.f32 v2, v14;
	v13 =	vcombine.low v16, v13;
	_ =	sdelay $0x1  }
0x7d: {  	v13 =	vperm.xlane v2, v13;
	_ =	sdelay $0x1  }
0x7e: {  	v2 =	vadd.f32 v2, v13;
	_ =	sdelay $0x1  }
0x7f: {  	v2 =	vmul.f32 $4.807692490e-03, v2  }
0x80: {  	[tilespmem:$0x0] =	vst v1  }
0x81: {  	[tilespmem:$0x10] =	vst v30;
	v51 =	vsub.f32 $1.000000000e+00, v2  }
0x82: {  	[tilespmem:$0x20] =	vst v3;
	(erf) = vrcp.f32 v2  }
0x83: {  	[tilespmem:$0x30] =	vst v4;
	(erf) = vrcp.f32 v51  }
0x84: {  	[tilespmem:$0x40] =	vst v5  }
0x85: {  	[tilespmem:$0x50] =	vst v6  }
0x86: {  	[tilespmem:$0x60] =	vst v7  }
0x87: {  	[tilespmem:$0x70] =	vst v8  }
0x88: {  	[tilespmem:$0x80] =	vst v9  }
0x89: {  	[tilespmem:$0x90] =	vst v10  }
0x8a: {  	[tilespmem:$0xA0] =	vst v11  }
0x8b: {  	[tilespmem:$0xB0] =	vst v42;
	v52 =	vpop (erf)  }
0x8c: {  	s26 =	simm.s32 $0x2;
	[tilespmem:$0xC0] =	vst v15;
	v53 =	vpop (erf)  }
0x8d: {  	_ =	swait.ge [sflag:s26], $0x100  }
0x8e: {  	v0 =	vmul.f32 $1.250000000e-01, v52;
	v3 =	vmul.f32 $8.750000000e-01, v53;
	[sflag:s26] =	ssyncset.done $0x0  }
0x8f: {  	vm0 =	vgt.f32 v2, $1.250000000e-01;
	[sflag:s26] =	ssyncadd.s32 $0xFFFFFF00  }
0x90: {  	v0 =	vsel vm0, v0, v3;
	v54 =	vsub.f32 $1.000000000e+00, v3;
	v55 =	vld [tilespmem:$0x100]  }
0x91: {  	v56 =	vmul.f32 v0, v1  }
0x92: {  	v1 =	vsel vm0, $0x0, v54  }
0x93: {  	v2 =	vadd.f32 v1, v56;
	_ =	sdelay $0x1  }
0x94: {  	v2 =	vsub.f32 v2, v55;
	_ =	sdelay $0x1  }
0x95: {  	v2 =	vmul.f32 $-1.200000000e+01, v2;
	_ =	sdelay $0x1  }
0x96: {  	v57 =	vld [tilespmem:$0x10];
	v2 =	vmul.f32 $1.442695020e+00, v2;
	_ =	sdelay $0x1  }
0x97: {  	(erf) = vpow2.f32 v2;
	_ =	sdelay $0x1  }
0x98: {  	v58 =	vld [tilespmem:$0x110]  }
0x99: {  	v3 =	vmul.f32 v57, v0;
	_ =	sdelay $0x1  }
0x9a: {  	v3 =	vadd.f32 v3, v1;
	_ =	sdelay $0x1  }
0x9b: {  	v2 =	vsub.f32 v3, v58;
	_ =	sdelay $0x1  }
0x9c: {  	v2 =	vmul.f32 $-1.200000000e+01, v2;
	v59 =	vpop (erf)  }
0x9d: {  	v3 =	vadd.f32 $1.000000000e+00, v59  }
0x9e: {  	v60 =	vld [tilespmem:$0x20];
	v2 =	vmul.f32 $1.442695020e+00, v2  }
0x9f: {  	(erf) = vrcp.f32 v3  }
0xa0: {  	(erf) = vpow2.f32 v2;
	_ =	sdelay $0x1  }
0xa1: {  	v61 =	vld [tilespmem:$0x120]  }
0xa2: {  	v62 =	vmul.f32 v60, v0;
	_ =	sdelay $0x1  }
0xa3: {  	v3 =	vadd.f32 v62, v1;
	_ =	sdelay $0x1  }
0xa4: {  	v2 =	vsub.f32 v3, v61  }
0xa5: {  	v63 =	vpop (erf)  }
0xa6: {  	v2 =	vmul.f32 $-1.200000000e+01, v2;
	v12 =	vpop (erf)  }
0xa7: {  	v4 =	vadd.f32 $1.000000000e+00, v12  }
0xa8: {  	v13 =	vld [tilespmem:$0x30];
	v2 =	vmul.f32 $1.442695020e+00, v2  }
0xa9: {  	(erf) = vrcp.f32 v4  }
0xaa: {  	(erf) = vpow2.f32 v2;
	_ =	sdelay $0x1  }
0xab: {  	v14 =	vld [tilespmem:$0x130]  }
0xac: {  	v15 =	vmul.f32 v13, v0;
	_ =	sdelay $0x1  }
0xad: {  	v4 =	vadd.f32 v15, v1;
	_ =	sdelay $0x1  }
0xae: {  	v2 =	vsub.f32 v4, v14  }
0xaf: {  	v16 =	vpop (erf)  }
0xb0: {  	v2 =	vmul.f32 $-1.200000000e+01, v2;
	v17 =	vpop (erf)  }
0xb1: {  	v5 =	vadd.f32 $1.000000000e+00, v17  }
0xb2: {  	v18 =	vld [tilespmem:$0x40];
	v2 =	vmul.f32 $1.442695020e+00, v2  }
0xb3: {  	(erf) = vrcp.f32 v5  }
0xb4: {  	(erf) = vpow2.f32 v2;
	_ =	sdelay $0x1  }
0xb5: {  	v19 =	vld [tilespmem:$0x140]  }
0xb6: {  	v20 =	vmul.f32 v18, v0;
	_ =	sdelay $0x1  }
0xb7: {  	v5 =	vadd.f32 v20, v1;
	_ =	sdelay $0x1  }
0xb8: {  	v2 =	vsub.f32 v5, v19  }
0xb9: {  	v21 =	vpop (erf)  }
0xba: {  	v2 =	vmul.f32 $-1.200000000e+01, v2;
	v22 =	vpop (erf)  }
0xbb: {  	v6 =	vadd.f32 $1.000000000e+00, v22  }
0xbc: {  	v23 =	vld [tilespmem:$0x50];
	v2 =	vmul.f32 $1.442695020e+00, v2  }
0xbd: {  	(erf) = vrcp.f32 v6  }
0xbe: {  	(erf) = vpow2.f32 v2;
	_ =	sdelay $0x1  }
0xbf: {  	v24 =	vld [tilespmem:$0x150]  }
0xc0: {  	v25 =	vmul.f32 v23, v0;
	_ =	sdelay $0x1  }
0xc1: {  	v6 =	vadd.f32 v25, v1;
	_ =	sdelay $0x1  }
0xc2: {  	v2 =	vsub.f32 v6, v24  }
0xc3: {  	v26 =	vpop (erf)  }
0xc4: {  	v2 =	vmul.f32 $-1.200000000e+01, v2;
	v27 =	vpop (erf)  }
0xc5: {  	v7 =	vadd.f32 $1.000000000e+00, v27  }
0xc6: {  	v28 =	vld [tilespmem:$0x60];
	v2 =	vmul.f32 $1.442695020e+00, v2  }
0xc7: {  	(erf) = vrcp.f32 v7  }
0xc8: {  	(erf) = vpow2.f32 v2;
	_ =	sdelay $0x1  }
0xc9: {  	v29 =	vld [tilespmem:$0x160]  }
0xca: {  	v30 =	vmul.f32 v28, v0;
	_ =	sdelay $0x1  }
0xcb: {  	v7 =	vadd.f32 v30, v1;
	_ =	sdelay $0x1  }
0xcc: {  	v2 =	vsub.f32 v7, v29  }
0xcd: {  	v31 =	vpop (erf)  }
0xce: {  	v2 =	vmul.f32 $-1.200000000e+01, v2;
	v32 =	vpop (erf)  }
0xcf: {  	v8 =	vadd.f32 $1.000000000e+00, v32  }
0xd0: {  	v33 =	vld [tilespmem:$0x70];
	v2 =	vmul.f32 $1.442695020e+00, v2  }
0xd1: {  	(erf) = vrcp.f32 v8  }
0xd2: {  	(erf) = vpow2.f32 v2;
	_ =	sdelay $0x1  }
0xd3: {  	v34 =	vld [tilespmem:$0x170]  }
0xd4: {  	v35 =	vmul.f32 v33, v0  }
0xd5: {  	[tilespmem:$0x200] =	vst v63  }
0xd6: {  	[tilespmem:$0x280] =	vst v63;
	v8 =	vadd.f32 v35, v1  }
0xd7: {  	[tilespmem:$0x300] =	vst v63  }
0xd8: {  	[tilespmem:$0x380] =	vst v63;
	v2 =	vsub.f32 v8, v34  }
0xd9: {  	[tilespmem:$0x400] =	vst v63;
	v36 =	vpop (erf)  }
0xda: {  	[tilespmem:$0x480] =	vst v63;
	v2 =	vmul.f32 $-1.200000000e+01, v2;
	v37 =	vpop (erf)  }
0xdb: {  	[tilespmem:$0x500] =	vst v63;
	v9 =	vadd.f32 $1.000000000e+00, v37  }
0xdc: {  	v38 =	vld [tilespmem:$0x80];
	[tilespmem:$0x580] =	vst v63;
	v2 =	vmul.f32 $1.442695020e+00, v2  }
0xdd: {  	[tilespmem:$0x210] =	vst v16;
	(erf) = vrcp.f32 v9  }
0xde: {  	[tilespmem:$0x290] =	vst v16;
	(erf) = vpow2.f32 v2  }
0xdf: {  	[tilespmem:$0x310] =	vst v16  }
0xe0: {  	v39 =	vld [tilespmem:$0x180];
	[tilespmem:$0x390] =	vst v16  }
0xe1: {  	v3 =	vmul.f32 v38, v0;
	[tilespmem:$0x410] =	vst v16  }
0xe2: {  	[tilespmem:$0x490] =	vst v16  }
0xe3: {  	v3 =	vadd.f32 v3, v1;
	[tilespmem:$0x510] =	vst v16  }
0xe4: {  	[tilespmem:$0x590] =	vst v16  }
0xe5: {  	[tilespmem:$0x220] =	vst v21;
	v2 =	vsub.f32 v3, v39  }
0xe6: {  	[tilespmem:$0x2A0] =	vst v21;
	v40 =	vpop (erf)  }
0xe7: {  	[tilespmem:$0x320] =	vst v21;
	v2 =	vmul.f32 $-1.200000000e+01, v2;
	v41 =	vpop (erf)  }
0xe8: {  	[tilespmem:$0x3A0] =	vst v21;
	v4 =	vadd.f32 $1.000000000e+00, v41  }
0xe9: {  	v42 =	vld [tilespmem:$0x90];
	[tilespmem:$0x420] =	vst v21;
	v2 =	vmul.f32 $1.442695020e+00, v2  }
0xea: {  	[tilespmem:$0x4A0] =	vst v21;
	(erf) = vrcp.f32 v4  }
0xeb: {  	[tilespmem:$0x520] =	vst v21;
	(erf) = vpow2.f32 v2  }
0xec: {  	[tilespmem:$0x5A0] =	vst v21  }
0xed: {  	v43 =	vld [tilespmem:$0x190];
	[tilespmem:$0x230] =	vst v26  }
0xee: {  	v44 =	vmul.f32 v42, v0;
	[tilespmem:$0x2B0] =	vst v26  }
0xef: {  	[tilespmem:$0x330] =	vst v26  }
0xf0: {  	[tilespmem:$0x3B0] =	vst v26;
	v4 =	vadd.f32 v44, v1  }
0xf1: {  	[tilespmem:$0x430] =	vst v26  }
0xf2: {  	[tilespmem:$0x4B0] =	vst v26;
	v2 =	vsub.f32 v4, v43  }
0xf3: {  	[tilespmem:$0x530] =	vst v26;
	v45 =	vpop (erf)  }
0xf4: {  	[tilespmem:$0x5B0] =	vst v26;
	v2 =	vmul.f32 $-1.200000000e+01, v2;
	v46 =	vpop (erf)  }
0xf5: {  	[tilespmem:$0x240] =	vst v31;
	v5 =	vadd.f32 $1.000000000e+00, v46  }
0xf6: {  	v47 =	vld [tilespmem:$0xA0];
	[tilespmem:$0x2C0] =	vst v31;
	v2 =	vmul.f32 $1.442695020e+00, v2  }
0xf7: {  	[tilespmem:$0x340] =	vst v31;
	(erf) = vrcp.f32 v5  }
0xf8: {  	[tilespmem:$0x3C0] =	vst v31;
	(erf) = vpow2.f32 v2  }
0xf9: {  	[tilespmem:$0x440] =	vst v31  }
0xfa: {  	v48 =	vld [tilespmem:$0x1A0];
	[tilespmem:$0x4C0] =	vst v31  }
0xfb: {  	v49 =	vmul.f32 v47, v0;
	[tilespmem:$0x540] =	vst v31  }
0xfc: {  	[tilespmem:$0x5C0] =	vst v31  }
0xfd: {  	[tilespmem:$0x250] =	vst v36;
	v5 =	vadd.f32 v49, v1  }
0xfe: {  	[tilespmem:$0x2D0] =	vst v36  }
0xff: {  	[tilespmem:$0x350] =	vst v36;
	v2 =	vsub.f32 v5, v48  }
0x100: {  	[tilespmem:$0x3D0] =	vst v36;
	v50 =	vpop (erf)  }
0x101: {  	[tilespmem:$0x450] =	vst v36;
	v2 =	vmul.f32 $-1.200000000e+01, v2;
	v51 =	vpop (erf)  }
0x102: {  	[tilespmem:$0x4D0] =	vst v36;
	v6 =	vadd.f32 $1.000000000e+00, v51  }
0x103: {  	v52 =	vld [tilespmem:$0xB0];
	[tilespmem:$0x550] =	vst v36;
	v2 =	vmul.f32 $1.442695020e+00, v2  }
0x104: {  	[tilespmem:$0x5D0] =	vst v36;
	(erf) = vrcp.f32 v6  }
0x105: {  	[tilespmem:$0x260] =	vst v40;
	(erf) = vpow2.f32 v2  }
0x106: {  	[tilespmem:$0x2E0] =	vst v40  }
0x107: {  	v53 =	vld [tilespmem:$0x1B0];
	[tilespmem:$0x360] =	vst v40  }
0x108: {  	v54 =	vmul.f32 v52, v0;
	[tilespmem:$0x3E0] =	vst v40  }
0x109: {  	[tilespmem:$0x460] =	vst v40  }
0x10a: {  	[tilespmem:$0x4E0] =	vst v40;
	v6 =	vadd.f32 v54, v1  }
0x10b: {  	[tilespmem:$0x560] =	vst v40  }
0x10c: {  	[tilespmem:$0x5E0] =	vst v40;
	v2 =	vsub.f32 v6, v53  }
0x10d: {  	[tilespmem:$0x270] =	vst v45;
	v55 =	vpop (erf)  }
0x10e: {  	[tilespmem:$0x2F0] =	vst v45;
	v2 =	vmul.f32 $-1.200000000e+01, v2;
	v56 =	vpop (erf)  }
0x10f: {  	[tilespmem:$0x370] =	vst v45;
	v6 =	vadd.f32 $1.000000000e+00, v56  }
0x110: {  	v57 =	vld [tilespmem:$0xC0];
	[tilespmem:$0x3F0] =	vst v45;
	v2 =	vmul.f32 $1.442695020e+00, v2  }
0x111: {  	[tilespmem:$0x470] =	vst v45;
	(erf) = vrcp.f32 v6  }
0x112: {  	[tilespmem:$0x4F0] =	vst v45;
	(erf) = vpow2.f32 v2  }
0x113: {  	[tilespmem:$0x570] =	vst v45  }
0x114: {  	v58 =	vld [tilespmem:$0x1C0];
	[tilespmem:$0x5F0] =	vst v45  }
0x115: {  	v0 =	vmul.f32 v57, v0;
	[tilespmem:$0x600] =	vst v50  }
0x116: {  	[tilespmem:$0x680] =	vst v50  }
0x117: {  	v0 =	vadd.f32 v0, v1;
	[tilespmem:$0x700] =	vst v50  }
0x118: {  	[tilespmem:$0x780] =	vst v50  }
0x119: {  	v0 =	vsub.f32 v0, v58;
	[tilespmem:$0x800] =	vst v50  }
0x11a: {  	[tilespmem:$0x880] =	vst v50;
	v59 =	vpop (erf)  }
0x11b: {  	v0 =	vmul.f32 $-1.200000000e+01, v0;
	[tilespmem:$0x900] =	vst v50;
	v60 =	vpop (erf)  }
0x11c: {  	[tilespmem:$0x980] =	vst v50;
	v2 =	vadd.f32 $1.000000000e+00, v60  }
0x11d: {  	v0 =	vmul.f32 $1.442695020e+00, v0;
	[tilespmem:$0x610] =	vst v55  }
0x11e: {  	[tilespmem:$0x690] =	vst v55;
	(erf) = vrcp.f32 v2  }
0x11f: {  	[tilespmem:$0x710] =	vst v55;
	(erf) = vpow2.f32 v0  }
0x120: {  	[tilespmem:$0x790] =	vst v55  }
0x121: {  	[tilespmem:$0x810] =	vst v55  }
0x122: {  	[tilespmem:$0x890] =	vst v55  }
0x123: {  	[tilespmem:$0x910] =	vst v55  }
0x124: {  	[tilespmem:$0x990] =	vst v55  }
0x125: {  	[tilespmem:$0x620] =	vst v59  }
0x126: {  	[tilespmem:$0x6A0] =	vst v59  }
0x127: {  	[tilespmem:$0x720] =	vst v59;
	v61 =	vpop (erf)  }
0x128: {  	[tilespmem:$0x7A0] =	vst v59;
	v62 =	vpop (erf)  }
0x129: {  	[tilespmem:$0x820] =	vst v59;
	v2 =	vadd.f32 $1.000000000e+00, v62  }
0x12a: {  	[tilespmem:$0x8A0] =	vst v59  }
0x12b: {  	[tilespmem:$0x920] =	vst v59;
	(erf) = vrcp.f32 v2  }
0x12c: {  	[tilespmem:$0x9A0] =	vst v59  }
0x12d: {  	[tilespmem:$0x630] =	vst v61  }
0x12e: {  	[tilespmem:$0x6B0] =	vst v61  }
0x12f: {  	[tilespmem:$0x730] =	vst v61  }
0x130: {  	[tilespmem:$0x7B0] =	vst v61  }
0x131: {  	[tilespmem:$0x830] =	vst v61  }
0x132: {  	[tilespmem:$0x8B0] =	vst v61  }
0x133: {  	[tilespmem:$0x930] =	vst v61  }
0x134: {  	[tilespmem:$0x9B0] =	vst v61;
	v63 =	vpop (erf)  }
0x135: {  	[tilespmem:$0x640] =	vst v63  }
0x136: {  	[tilespmem:$0x6C0] =	vst v63  }
0x137: {  	[tilespmem:$0x740] =	vst v63  }
0x138: {  	[tilespmem:$0x7C0] =	vst v63  }
0x139: {  	s28 =	stileid.u32;
	[tilespmem:$0x840] =	vst v63  }
0x13a: {  	s29 =	sshll.u32 s28, $0x8;
	[tilespmem:$0x8C0] =	vst v63  }
0x13b: {  	s2 =	sadd.s32 s29, s2;
	[tilespmem:$0x940] =	vst v63  }
0x13c: {  	s30 =	simm.s32 $0x200;
	s31 =	simm.s32 $0x3;
	s2 =	sadd.s32 $0x600, s2;
	[tilespmem:$0x9C0] =	vst v63  }
0x13d: {  	[hbm4b:s2+s1] =	stream.linear.scatter [tilespmem:s30], [sflag:$0x3], $0x800, $0x38;
	[tilespmem:$0xA00] =	vst v63  }
0x13e: {  	_ =	swait.ge [sflag:s31], $0x800  }
0x13f: {  	[sflag:s31] =	ssyncset.done $0x0  }
0x140: {  	[sflag:s31] =	ssyncadd.s32 $0xFFFFF800  }
0x141: {  	_ =	sfence.sel $0x180000  }
0x142: {  	[bflag:$0x0] =	sbarrier.arrive $0xFFFF  }
0x143: {  	p0 =	sne.s32 s28, $0x0;
	_ =	strace $0x90000047  }
0x144: {  	s0 =	sadd.s32 @!p0 $0x100000, s0;
	[bflag:$0x2] =	sbarrier.arrive $0xFFFF  }
0x145: {  	[sflag:s0] =	ssyncadd.tile.s32 @!p0 $0x1;
	_ =	shalt  }
.Lfunc_end2:
_tile_overlayer_lowered:
.L_overlay_start_2:
0x146: {  	(tag) =	ssettag $0x2  }
0x147: {  	s0 =	rddreg [dreg:$0x0];
	s2 =	stileid.u32  }
0x148: {  	s1 =	rddreg [dreg:$0x1];
	p0 =	sne.s32 s2, $0x0  }
0x149: {  	s3 =	rddreg [dreg:$0x2];
	[bflag:$0x3] =	sbarrier.arrive $0xFFFF;
	s2 =	simm.s32 @!p0 $0x1C03  }
0x14a: {  	[timem:s3], [sflag:s2] =	dma.local @!p0 [hbm:s0], s1  }
0x14b: {  	s0 =	simm.s32 @!p0 $0x3  }
0x14c: {  	_ =	swait.ge @!p0 [sflag:s0], s1  }
0x14d: {  	s1 =	ssub.s32 @!p0 $0x0, s1;
	[sflag:s0] =	ssyncset.done @!p0 $0x0  }
0x14e: {  	[sflag:s0] =	ssyncadd.s32 @!p0 s1  }
0x14f: {  	[bflag:$0x3] =	sbarrier.arrive $0xFFFF  }
0x150: {  	_ =	shalt  }

</sc_bundles>
